<compile_context>
chip_gen: v7x
topology: tpu7x:2x2x1
jax: 0.10.2.dev20260603
libtpu: 0.0.44.dev20260713+nightly
codegen_flags: <defaults>
</compile_context>

<pallas_src>
import functools

import jax
import jax.numpy as jnp
from jax import lax
from jax.experimental import pallas as pl
from jax.experimental.pallas import tpu as pltpu
from jax.experimental.pallas import tpu_sc as plsc

NUM_EMBEDDINGS = 100000
EMBEDDING_DIM = 128

B, L = 4096, 50
TOTAL = B * L
NC, NS = 2, 16
NW = NC * NS
PER_W = TOTAL // NW
CHUNK = 128
NCHUNK = PER_W // CHUNK
NBUF = 7
PF = 4

_STEADY_END = ((NCHUNK - PF - NBUF) // NBUF) * NBUF


def _sc_gather(idx_flat, weight):
    mesh = plsc.VectorSubcoreMesh(
        core_axis_name="c", subcore_axis_name="s", num_cores=NC, num_subcores=NS
    )

    @functools.partial(
        pl.kernel,
        out_type=jax.ShapeDtypeStruct((TOTAL, EMBEDDING_DIM), jnp.float32),
        mesh=mesh,
        scratch_types=[
            pltpu.VMEM((PER_W,), jnp.int32),
            pltpu.VMEM((NBUF, CHUNK, EMBEDDING_DIM), jnp.float32),
            pltpu.SemaphoreType.DMA,
            pltpu.SemaphoreType.DMA,
            pltpu.SemaphoreType.DMA,
        ],
    )
    def k(idx_hbm, table_hbm, out_hbm, idx_v, rows_v, sem_in, sem_out, sem_idx):
        wid = lax.axis_index("s") * NC + lax.axis_index("c")
        base = wid * PER_W
        head_idx = PF * CHUNK
        pltpu.sync_copy(
            idx_hbm.at[pl.ds(base, head_idx)], idx_v.at[pl.ds(0, head_idx)]
        )
        rest = pltpu.async_copy(
            idx_hbm.at[pl.ds(base + head_idx, PER_W - head_idx)],
            idx_v.at[pl.ds(head_idx, PER_W - head_idx)],
            sem_idx,
        )

        def start_gather(j, b):
            pltpu.async_copy(
                table_hbm.at[idx_v.at[pl.ds(j * CHUNK, CHUNK)]], rows_v.at[b], sem_in
            )

        def wait_gather(b):
            pltpu.make_async_copy(
                table_hbm.at[idx_v.at[pl.ds(0, CHUNK)]], rows_v.at[b], sem_in
            ).wait()

        def start_out(j, b):
            pltpu.async_copy(
                rows_v.at[b], out_hbm.at[pl.ds(base + j * CHUNK, CHUNK)], sem_out
            )

        def wait_out(b):
            pltpu.make_async_copy(
                rows_v.at[b], out_hbm.at[pl.ds(base, CHUNK)], sem_out
            ).wait()

        def step(j, b, do_wait_out, do_gather):
            wait_gather(b)
            start_out(j, b)
            if do_wait_out:
                wait_out((b + PF) % NBUF)
            if do_gather:
                start_gather(j + PF, (b + PF) % NBUF)

        for j in range(PF):
            start_gather(j, j)
        rest.wait()

        for j in range(NBUF):
            step(j, j, j >= NBUF - PF, True)

        @pl.loop(NBUF, NBUF + _STEADY_END, step=NBUF)
        def _(g):
            for b in range(NBUF):
                step(g + b, b, True, True)

        for j in range(NBUF + _STEADY_END, NCHUNK):
            step(j, j % NBUF, j + PF < NCHUNK, j + PF < NCHUNK)

        for _ in range(NBUF):
            wait_out(0)

    return k(idx_flat, weight)


def kernel(token_ids, weight):
    idx = token_ids.astype(jnp.int32).T.reshape(TOTAL)
    out = _sc_gather(idx, weight)
    return out.reshape(L, B, EMBEDDING_DIM).transpose(1, 0, 2)

# --- scband reference (transcript-rebuilt; emitter-appended) ---
"""Pipeline reference for scband-embedding-59004260713044 (READ-ONLY COPY).

The authoritative reference and input builder live on the scoring server;
editing this copy changes nothing except your own understanding.
"""

import jax, jax.numpy as jnp
import numpy as np

NUM_EMBEDDINGS = 100000
EMBEDDING_DIM = 128


def setup_inputs(seed: int = 0) -> dict:
    key = jax.random.key(seed)
    k_idx, k_w = jax.random.split(key)
    token_ids = jax.random.randint(k_idx, (4096, 50), 0, NUM_EMBEDDINGS, dtype=jnp.int64 if jax.config.jax_enable_x64 else jnp.int32)
    # trunc_normal_(mean=0, std=0.02): approximate with clipped normal (trunc at +-2 std)
    w = jax.random.truncated_normal(k_w, -2.0, 2.0, (NUM_EMBEDDINGS, EMBEDDING_DIM), dtype=jnp.float32) * 0.02
    return {"token_ids": token_ids, "weight": w}


def reference(token_ids, weight):
    # Embedding lookup: weight[token_ids] -> [B, L, D]
    return jnp.take(weight, token_ids, axis=0)

if __name__ == "__main__":
    import jax
    _d = setup_inputs()
    print(jax.jit(kernel)(*tuple(_d.values())))

</pallas_src>

<mosaic_0001>
#map = affine_map<(d0, d1) -> (0)>
#map1 = affine_map<(d0, d1) -> (0, 0)>
module attributes {stable_mosaic.version = 14 : i64} {
  func.func @k(%arg0: i32, %arg1: i32, %arg2: memref<204800xi32, #tpu.memory_space<hbm>>, %arg3: memref<100000x128xf32, #tpu.memory_space<hbm>>, %arg4: memref<204800x128xf32, #tpu.memory_space<hbm>>, %arg5: memref<6400xi32, #tpu.memory_space<vmem>>, %arg6: memref<7x128x128xf32, #tpu.memory_space<vmem>>, %arg7: memref<!tpu.dma_semaphore, #tpu.memory_space<semaphore_mem>>, %arg8: memref<!tpu.dma_semaphore, #tpu.memory_space<semaphore_mem>>, %arg9: memref<!tpu.dma_semaphore, #tpu.memory_space<semaphore_mem>>) attributes {dimension_semantics = [#tpu.dimension_semantics<core_parallel>, #tpu.dimension_semantics<subcore_parallel>], iteration_bounds = array<i64: 2, 16>, scalar_prefetch = 0 : i64, scratch_operands = 5 : i64, tpu.core_type = #tpu.core_type<sc_vector_subcore>, window_params = [{transform_indices = #map}, {transform_indices = #map1}, {transform_indices = #map1}]} {
    %mul3A = arith.constant 2 : i32
    %mul3A_0 = arith.muli %arg1, %mul3A : i32
    %add3A = arith.addi %mul3A_0, %arg0 : i32
    %mul3A_1 = arith.constant 6400 : i32
    %mul3A_2 = arith.muli %add3A, %mul3A_1 : i32
    "tpu.region"() ({
      %run_scoped3A = tpu.sem_alloc : memref<!tpu.dma_semaphore, #tpu.memory_space<semaphore_mem>>
      %dma_start3A_739 = arith.constant 0 : i32
      %dma_start3A_740 = tpu.memref_slice %arg5[%dma_start3A_739] : memref<6400xi32, #tpu.memory_space<vmem>> -> memref<512xi32, #tpu.memory_space<vmem>>
      %dma_start3A_741 = tpu.memref_slice %arg2[%mul3A_2] : memref<204800xi32, #tpu.memory_space<hbm>> -> memref<512xi32, #tpu.memory_space<hbm>>
      %dma_start3A_742 = arith.constant 0 : i32
      %dma_start3A_743 = tpu.memref_slice %arg5[%dma_start3A_742] : memref<6400xi32, #tpu.memory_space<vmem>> -> memref<512xi32, #tpu.memory_space<vmem>>
      %dma_start3A_744 = tpu.memref_slice %arg2[%mul3A_2] : memref<204800xi32, #tpu.memory_space<hbm>> -> memref<512xi32, #tpu.memory_space<hbm>>
      tpu.enqueue_dma source(%dma_start3A_744 : memref<512xi32, #tpu.memory_space<hbm>>) target(%dma_start3A_743 : memref<512xi32, #tpu.memory_space<vmem>>) target_semaphore(%run_scoped3A : memref<!tpu.dma_semaphore, #tpu.memory_space<semaphore_mem>>)
      %dma_wait3A_745 = arith.constant 0 : i32
      %dma_wait3A_746 = tpu.memref_slice %arg5[%dma_wait3A_745] : memref<6400xi32, #tpu.memory_space<vmem>> -> memref<512xi32, #tpu.memory_space<vmem>>
      %dma_wait3A_747 = tpu.memref_slice %arg2[%mul3A_2] : memref<204800xi32, #tpu.memory_space<hbm>> -> memref<512xi32, #tpu.memory_space<hbm>>
      %dma_wait3A_748 = arith.constant 0 : i32
      %dma_wait3A_749 = tpu.memref_slice %arg5[%dma_wait3A_748] : memref<6400xi32, #tpu.memory_space<vmem>> -> memref<512xi32, #tpu.memory_space<vmem>>
      %dma_wait3A_750 = tpu.memref_slice %arg2[%mul3A_2] : memref<204800xi32, #tpu.memory_space<hbm>> -> memref<512xi32, #tpu.memory_space<hbm>>
      tpu.wait_dma2 semaphore(%run_scoped3A : memref<!tpu.dma_semaphore, #tpu.memory_space<semaphore_mem>>) src(%dma_wait3A_750 : memref<512xi32, #tpu.memory_space<hbm>>) dst(%dma_wait3A_749 : memref<512xi32, #tpu.memory_space<vmem>>)
      tpu.yield
    }) : () -> ()
    %add3A_3 = arith.constant 512 : i32
    %add3A_4 = arith.addi %mul3A_2, %add3A_3 : i32
    %dma_start3A = arith.constant 512 : i32
    %dma_start3A_5 = tpu.memref_slice %arg5[%dma_start3A] : memref<6400xi32, #tpu.memory_space<vmem>> -> memref<5888xi32, #tpu.memory_space<vmem>>
    %dma_start3A_6 = tpu.memref_slice %arg2[%add3A_4] : memref<204800xi32, #tpu.memory_space<hbm>> -> memref<5888xi32, #tpu.memory_space<hbm>>
    %dma_start3A_7 = arith.constant 512 : i32
    %dma_start3A_8 = tpu.memref_slice %arg5[%dma_start3A_7] : memref<6400xi32, #tpu.memory_space<vmem>> -> memref<5888xi32, #tpu.memory_space<vmem>>
    %dma_start3A_9 = tpu.memref_slice %arg2[%add3A_4] : memref<204800xi32, #tpu.memory_space<hbm>> -> memref<5888xi32, #tpu.memory_space<hbm>>
    tpu.enqueue_dma source(%dma_start3A_9 : memref<5888xi32, #tpu.memory_space<hbm>>) target(%dma_start3A_8 : memref<5888xi32, #tpu.memory_space<vmem>>) target_semaphore(%arg9 : memref<!tpu.dma_semaphore, #tpu.memory_space<semaphore_mem>>)
    %dma_start3A_10 = arith.constant 0 : i32
    %dma_start3A_11 = arith.constant 0 : i32
    %dma_start3A_12 = arith.constant 0 : i32
    %dma_start3A_13 = tpu.memref_slice %arg6[%dma_start3A_10, %dma_start3A_11, %dma_start3A_12] : memref<7x128x128xf32, #tpu.memory_space<vmem>> -> memref<1x128x128xf32, #tpu.memory_space<vmem>>
    %dma_start3A_14 = tpu.memref_squeeze %dma_start3A_13 : memref<1x128x128xf32, #tpu.memory_space<vmem>> -> memref<128x128xf32, #tpu.memory_space<vmem>>
    %dma_start3A_15 = arith.constant 0 : i32
    %dma_start3A_16 = tpu.memref_slice %arg5[%dma_start3A_15] : memref<6400xi32, #tpu.memory_space<vmem>> -> memref<128xi32, #tpu.memory_space<vmem>>
    %dma_start3A_17 = arith.constant 0 : i32
    %dma_start3A_18 = arith.constant 0 : i32
    %dma_start3A_19 = tpu.memref_slice %arg3[%dma_start3A_17, %dma_start3A_18] : memref<100000x128xf32, #tpu.memory_space<hbm>> -> memref<100000x128xf32, #tpu.memory_space<hbm>>
    tpu.enqueue_indirect_dma source(%dma_start3A_19 : memref<100000x128xf32, #tpu.memory_space<hbm>>) target(%dma_start3A_14 : memref<128x128xf32, #tpu.memory_space<vmem>>) offsets(%dma_start3A_16 : memref<128xi32, #tpu.memory_space<vmem>>) semaphore(%arg7 : memref<!tpu.dma_semaphore, #tpu.memory_space<semaphore_mem>>)
    %dma_start3A_20 = arith.constant 1 : i32
    %dma_start3A_21 = arith.constant 0 : i32
    %dma_start3A_22 = arith.constant 0 : i32
    %dma_start3A_23 = tpu.memref_slice %arg6[%dma_start3A_20, %dma_start3A_21, %dma_start3A_22] : memref<7x128x128xf32, #tpu.memory_space<vmem>> -> memref<1x128x128xf32, #tpu.memory_space<vmem>>
    %dma_start3A_24 = tpu.memref_squeeze %dma_start3A_23 : memref<1x128x128xf32, #tpu.memory_space<vmem>> -> memref<128x128xf32, #tpu.memory_space<vmem>>
    %dma_start3A_25 = arith.constant 128 : i32
    %dma_start3A_26 = tpu.memref_slice %arg5[%dma_start3A_25] : memref<6400xi32, #tpu.memory_space<vmem>> -> memref<128xi32, #tpu.memory_space<vmem>>
    %dma_start3A_27 = arith.constant 0 : i32
    %dma_start3A_28 = arith.constant 0 : i32
    %dma_start3A_29 = tpu.memref_slice %arg3[%dma_start3A_27, %dma_start3A_28] : memref<100000x128xf32, #tpu.memory_space<hbm>> -> memref<100000x128xf32, #tpu.memory_space<hbm>>
    tpu.enqueue_indirect_dma source(%dma_start3A_29 : memref<100000x128xf32, #tpu.memory_space<hbm>>) target(%dma_start3A_24 : memref<128x128xf32, #tpu.memory_space<vmem>>) offsets(%dma_start3A_26 : memref<128xi32, #tpu.memory_space<vmem>>) semaphore(%arg7 : memref<!tpu.dma_semaphore, #tpu.memory_space<semaphore_mem>>)
    %dma_start3A_30 = arith.constant 2 : i32
    %dma_start3A_31 = arith.constant 0 : i32
    %dma_start3A_32 = arith.constant 0 : i32
    %dma_start3A_33 = tpu.memref_slice %arg6[%dma_start3A_30, %dma_start3A_31, %dma_start3A_32] : memref<7x128x128xf32, #tpu.memory_space<vmem>> -> memref<1x128x128xf32, #tpu.memory_space<vmem>>
    %dma_start3A_34 = tpu.memref_squeeze %dma_start3A_33 : memref<1x128x128xf32, #tpu.memory_space<vmem>> -> memref<128x128xf32, #tpu.memory_space<vmem>>
    %dma_start3A_35 = arith.constant 256 : i32
    %dma_start3A_36 = tpu.memref_slice %arg5[%dma_start3A_35] : memref<6400xi32, #tpu.memory_space<vmem>> -> memref<128xi32, #tpu.memory_space<vmem>>
    %dma_start3A_37 = arith.constant 0 : i32
    %dma_start3A_38 = arith.constant 0 : i32
    %dma_start3A_39 = tpu.memref_slice %arg3[%dma_start3A_37, %dma_start3A_38] : memref<100000x128xf32, #tpu.memory_space<hbm>> -> memref<100000x128xf32, #tpu.memory_space<hbm>>
    tpu.enqueue_indirect_dma source(%dma_start3A_39 : memref<100000x128xf32, #tpu.memory_space<hbm>>) target(%dma_start3A_34 : memref<128x128xf32, #tpu.memory_space<vmem>>) offsets(%dma_start3A_36 : memref<128xi32, #tpu.memory_space<vmem>>) semaphore(%arg7 : memref<!tpu.dma_semaphore, #tpu.memory_space<semaphore_mem>>)
    %dma_start3A_40 = arith.constant 3 : i32
    %dma_start3A_41 = arith.constant 0 : i32
    %dma_start3A_42 = arith.constant 0 : i32
    %dma_start3A_43 = tpu.memref_slice %arg6[%dma_start3A_40, %dma_start3A_41, %dma_start3A_42] : memref<7x128x128xf32, #tpu.memory_space<vmem>> -> memref<1x128x128xf32, #tpu.memory_space<vmem>>
    %dma_start3A_44 = tpu.memref_squeeze %dma_start3A_43 : memref<1x128x128xf32, #tpu.memory_space<vmem>> -> memref<128x128xf32, #tpu.memory_space<vmem>>
    %dma_start3A_45 = arith.constant 384 : i32
    %dma_start3A_46 = tpu.memref_slice %arg5[%dma_start3A_45] : memref<6400xi32, #tpu.memory_space<vmem>> -> memref<128xi32, #tpu.memory_space<vmem>>
    %dma_start3A_47 = arith.constant 0 : i32
    %dma_start3A_48 = arith.constant 0 : i32
    %dma_start3A_49 = tpu.memref_slice %arg3[%dma_start3A_47, %dma_start3A_48] : memref<100000x128xf32, #tpu.memory_space<hbm>> -> memref<100000x128xf32, #tpu.memory_space<hbm>>
    tpu.enqueue_indirect_dma source(%dma_start3A_49 : memref<100000x128xf32, #tpu.memory_space<hbm>>) target(%dma_start3A_44 : memref<128x128xf32, #tpu.memory_space<vmem>>) offsets(%dma_start3A_46 : memref<128xi32, #tpu.memory_space<vmem>>) semaphore(%arg7 : memref<!tpu.dma_semaphore, #tpu.memory_space<semaphore_mem>>)
    %dma_wait3A = arith.constant 512 : i32
    %dma_wait3A_50 = tpu.memref_slice %arg5[%dma_wait3A] : memref<6400xi32, #tpu.memory_space<vmem>> -> memref<5888xi32, #tpu.memory_space<vmem>>
    %dma_wait3A_51 = tpu.memref_slice %arg2[%add3A_4] : memref<204800xi32, #tpu.memory_space<hbm>> -> memref<5888xi32, #tpu.memory_space<hbm>>
    %dma_wait3A_52 = arith.constant 512 : i32
    %dma_wait3A_53 = tpu.memref_slice %arg5[%dma_wait3A_52] : memref<6400xi32, #tpu.memory_space<vmem>> -> memref<5888xi32, #tpu.memory_space<vmem>>
    %dma_wait3A_54 = tpu.memref_slice %arg2[%add3A_4] : memref<204800xi32, #tpu.memory_space<hbm>> -> memref<5888xi32, #tpu.memory_space<hbm>>
    tpu.wait_dma2 semaphore(%arg9 : memref<!tpu.dma_semaphore, #tpu.memory_space<semaphore_mem>>) src(%dma_wait3A_54 : memref<5888xi32, #tpu.memory_space<hbm>>) dst(%dma_wait3A_53 : memref<5888xi32, #tpu.memory_space<vmem>>)
    %dma_wait3A_55 = arith.constant 0 : i32
    %dma_wait3A_56 = arith.constant 0 : i32
    %dma_wait3A_57 = arith.constant 0 : i32
    %dma_wait3A_58 = tpu.memref_slice %arg6[%dma_wait3A_55, %dma_wait3A_56, %dma_wait3A_57] : memref<7x128x128xf32, #tpu.memory_space<vmem>> -> memref<1x128x128xf32, #tpu.memory_space<vmem>>
    %dma_wait3A_59 = tpu.memref_squeeze %dma_wait3A_58 : memref<1x128x128xf32, #tpu.memory_space<vmem>> -> memref<128x128xf32, #tpu.memory_space<vmem>>
    %dma_wait3A_60 = arith.constant 0 : i32
    %dma_wait3A_61 = tpu.memref_slice %arg5[%dma_wait3A_60] : memref<6400xi32, #tpu.memory_space<vmem>> -> memref<128xi32, #tpu.memory_space<vmem>>
    %dma_wait3A_62 = arith.constant 0 : i32
    %dma_wait3A_63 = arith.constant 0 : i32
    %dma_wait3A_64 = tpu.memref_slice %arg3[%dma_wait3A_62, %dma_wait3A_63] : memref<100000x128xf32, #tpu.memory_space<hbm>> -> memref<100000x128xf32, #tpu.memory_space<hbm>>
    tpu.wait_indirect_dma semaphore(%arg7 : memref<!tpu.dma_semaphore, #tpu.memory_space<semaphore_mem>>) src(%dma_wait3A_64 : memref<100000x128xf32, #tpu.memory_space<hbm>>) dst(%dma_wait3A_59 : memref<128x128xf32, #tpu.memory_space<vmem>>)
    %add3A_65 = arith.constant 0 : i32
    %add3A_66 = arith.addi %mul3A_2, %add3A_65 : i32
    %dma_start3A_67 = arith.constant 0 : i32
    %dma_start3A_68 = arith.constant 0 : i32
    %dma_start3A_69 = arith.constant 0 : i32
    %dma_start3A_70 = tpu.memref_slice %arg6[%dma_start3A_67, %dma_start3A_68, %dma_start3A_69] : memref<7x128x128xf32, #tpu.memory_space<vmem>> -> memref<1x128x128xf32, #tpu.memory_space<vmem>>
    %dma_start3A_71 = tpu.memref_squeeze %dma_start3A_70 : memref<1x128x128xf32, #tpu.memory_space<vmem>> -> memref<128x128xf32, #tpu.memory_space<vmem>>
    %dma_start3A_72 = arith.constant 0 : i32
    %dma_start3A_73 = tpu.memref_slice %arg4[%add3A_66, %dma_start3A_72] : memref<204800x128xf32, #tpu.memory_space<hbm>> -> memref<128x128xf32, #tpu.memory_space<hbm>>
    %dma_start3A_74 = arith.constant 0 : i32
    %dma_start3A_75 = tpu.memref_slice %arg4[%add3A_66, %dma_start3A_74] : memref<204800x128xf32, #tpu.memory_space<hbm>> -> memref<128x128xf32, #tpu.memory_space<hbm>>
    %dma_start3A_76 = arith.constant 0 : i32
    %dma_start3A_77 = arith.constant 0 : i32
    %dma_start3A_78 = tpu.memref_slice %arg6[%dma_start3A_67, %dma_start3A_76, %dma_start3A_77] : memref<7x128x128xf32, #tpu.memory_space<vmem>> -> memref<1x128x128xf32, #tpu.memory_space<vmem>>
    %dma_start3A_79 = tpu.memref_squeeze %dma_start3A_78 : memref<1x128x128xf32, #tpu.memory_space<vmem>> -> memref<128x128xf32, #tpu.memory_space<vmem>>
    tpu.enqueue_dma source(%dma_start3A_79 : memref<128x128xf32, #tpu.memory_space<vmem>>) target(%dma_start3A_75 : memref<128x128xf32, #tpu.memory_space<hbm>>) target_semaphore(%arg8 : memref<!tpu.dma_semaphore, #tpu.memory_space<semaphore_mem>>)
    %dma_start3A_80 = arith.constant 4 : i32
    %dma_start3A_81 = arith.constant 0 : i32
    %dma_start3A_82 = arith.constant 0 : i32
    %dma_start3A_83 = tpu.memref_slice %arg6[%dma_start3A_80, %dma_start3A_81, %dma_start3A_82] : memref<7x128x128xf32, #tpu.memory_space<vmem>> -> memref<1x128x128xf32, #tpu.memory_space<vmem>>
    %dma_start3A_84 = tpu.memref_squeeze %dma_start3A_83 : memref<1x128x128xf32, #tpu.memory_space<vmem>> -> memref<128x128xf32, #tpu.memory_space<vmem>>
    %dma_start3A_85 = arith.constant 512 : i32
    %dma_start3A_86 = tpu.memref_slice %arg5[%dma_start3A_85] : memref<6400xi32, #tpu.memory_space<vmem>> -> memref<128xi32, #tpu.memory_space<vmem>>
    %dma_start3A_87 = arith.constant 0 : i32
    %dma_start3A_88 = arith.constant 0 : i32
    %dma_start3A_89 = tpu.memref_slice %arg3[%dma_start3A_87, %dma_start3A_88] : memref<100000x128xf32, #tpu.memory_space<hbm>> -> memref<100000x128xf32, #tpu.memory_space<hbm>>
    tpu.enqueue_indirect_dma source(%dma_start3A_89 : memref<100000x128xf32, #tpu.memory_space<hbm>>) target(%dma_start3A_84 : memref<128x128xf32, #tpu.memory_space<vmem>>) offsets(%dma_start3A_86 : memref<128xi32, #tpu.memory_space<vmem>>) semaphore(%arg7 : memref<!tpu.dma_semaphore, #tpu.memory_space<semaphore_mem>>)
    %dma_wait3A_90 = arith.constant 1 : i32
    %dma_wait3A_91 = arith.constant 0 : i32
    %dma_wait3A_92 = arith.constant 0 : i32
    %dma_wait3A_93 = tpu.memref_slice %arg6[%dma_wait3A_90, %dma_wait3A_91, %dma_wait3A_92] : memref<7x128x128xf32, #tpu.memory_space<vmem>> -> memref<1x128x128xf32, #tpu.memory_space<vmem>>
    %dma_wait3A_94 = tpu.memref_squeeze %dma_wait3A_93 : memref<1x128x128xf32, #tpu.memory_space<vmem>> -> memref<128x128xf32, #tpu.memory_space<vmem>>
    %dma_wait3A_95 = arith.constant 0 : i32
    %dma_wait3A_96 = tpu.memref_slice %arg5[%dma_wait3A_95] : memref<6400xi32, #tpu.memory_space<vmem>> -> memref<128xi32, #tpu.memory_space<vmem>>
    %dma_wait3A_97 = arith.constant 0 : i32
    %dma_wait3A_98 = arith.constant 0 : i32
    %dma_wait3A_99 = tpu.memref_slice %arg3[%dma_wait3A_97, %dma_wait3A_98] : memref<100000x128xf32, #tpu.memory_space<hbm>> -> memref<100000x128xf32, #tpu.memory_space<hbm>>
    tpu.wait_indirect_dma semaphore(%arg7 : memref<!tpu.dma_semaphore, #tpu.memory_space<semaphore_mem>>) src(%dma_wait3A_99 : memref<100000x128xf32, #tpu.memory_space<hbm>>) dst(%dma_wait3A_94 : memref<128x128xf32, #tpu.memory_space<vmem>>)
    %add3A_100 = arith.constant 128 : i32
    %add3A_101 = arith.addi %mul3A_2, %add3A_100 : i32
    %dma_start3A_102 = arith.constant 1 : i32
    %dma_start3A_103 = arith.constant 0 : i32
    %dma_start3A_104 = arith.constant 0 : i32
    %dma_start3A_105 = tpu.memref_slice %arg6[%dma_start3A_102, %dma_start3A_103, %dma_start3A_104] : memref<7x128x128xf32, #tpu.memory_space<vmem>> -> memref<1x128x128xf32, #tpu.memory_space<vmem>>
    %dma_start3A_106 = tpu.memref_squeeze %dma_start3A_105 : memref<1x128x128xf32, #tpu.memory_space<vmem>> -> memref<128x128xf32, #tpu.memory_space<vmem>>
    %dma_start3A_107 = arith.constant 0 : i32
    %dma_start3A_108 = tpu.memref_slice %arg4[%add3A_101, %dma_start3A_107] : memref<204800x128xf32, #tpu.memory_space<hbm>> -> memref<128x128xf32, #tpu.memory_space<hbm>>
    %dma_start3A_109 = arith.constant 0 : i32
    %dma_start3A_110 = tpu.memref_slice %arg4[%add3A_101, %dma_start3A_109] : memref<204800x128xf32, #tpu.memory_space<hbm>> -> memref<128x128xf32, #tpu.memory_space<hbm>>
    %dma_start3A_111 = arith.constant 0 : i32
    %dma_start3A_112 = arith.constant 0 : i32
    %dma_start3A_113 = tpu.memref_slice %arg6[%dma_start3A_102, %dma_start3A_111, %dma_start3A_112] : memref<7x128x128xf32, #tpu.memory_space<vmem>> -> memref<1x128x128xf32, #tpu.memory_space<vmem>>
    %dma_start3A_114 = tpu.memref_squeeze %dma_start3A_113 : memref<1x128x128xf32, #tpu.memory_space<vmem>> -> memref<128x128xf32, #tpu.memory_space<vmem>>
    tpu.enqueue_dma source(%dma_start3A_114 : memref<128x128xf32, #tpu.memory_space<vmem>>) target(%dma_start3A_110 : memref<128x128xf32, #tpu.memory_space<hbm>>) target_semaphore(%arg8 : memref<!tpu.dma_semaphore, #tpu.memory_space<semaphore_mem>>)
    %dma_start3A_115 = arith.constant 5 : i32
    %dma_start3A_116 = arith.constant 0 : i32
    %dma_start3A_117 = arith.constant 0 : i32
    %dma_start3A_118 = tpu.memref_slice %arg6[%dma_start3A_115, %dma_start3A_116, %dma_start3A_117] : memref<7x128x128xf32, #tpu.memory_space<vmem>> -> memref<1x128x128xf32, #tpu.memory_space<vmem>>
    %dma_start3A_119 = tpu.memref_squeeze %dma_start3A_118 : memref<1x128x128xf32, #tpu.memory_space<vmem>> -> memref<128x128xf32, #tpu.memory_space<vmem>>
    %dma_start3A_120 = arith.constant 640 : i32
    %dma_start3A_121 = tpu.memref_slice %arg5[%dma_start3A_120] : memref<6400xi32, #tpu.memory_space<vmem>> -> memref<128xi32, #tpu.memory_space<vmem>>
    %dma_start3A_122 = arith.constant 0 : i32
    %dma_start3A_123 = arith.constant 0 : i32
    %dma_start3A_124 = tpu.memref_slice %arg3[%dma_start3A_122, %dma_start3A_123] : memref<100000x128xf32, #tpu.memory_space<hbm>> -> memref<100000x128xf32, #tpu.memory_space<hbm>>
    tpu.enqueue_indirect_dma source(%dma_start3A_124 : memref<100000x128xf32, #tpu.memory_space<hbm>>) target(%dma_start3A_119 : memref<128x128xf32, #tpu.memory_space<vmem>>) offsets(%dma_start3A_121 : memref<128xi32, #tpu.memory_space<vmem>>) semaphore(%arg7 : memref<!tpu.dma_semaphore, #tpu.memory_space<semaphore_mem>>)
    %dma_wait3A_125 = arith.constant 2 : i32
    %dma_wait3A_126 = arith.constant 0 : i32
    %dma_wait3A_127 = arith.constant 0 : i32
    %dma_wait3A_128 = tpu.memref_slice %arg6[%dma_wait3A_125, %dma_wait3A_126, %dma_wait3A_127] : memref<7x128x128xf32, #tpu.memory_space<vmem>> -> memref<1x128x128xf32, #tpu.memory_space<vmem>>
    %dma_wait3A_129 = tpu.memref_squeeze %dma_wait3A_128 : memref<1x128x128xf32, #tpu.memory_space<vmem>> -> memref<128x128xf32, #tpu.memory_space<vmem>>
    %dma_wait3A_130 = arith.constant 0 : i32
    %dma_wait3A_131 = tpu.memref_slice %arg5[%dma_wait3A_130] : memref<6400xi32, #tpu.memory_space<vmem>> -> memref<128xi32, #tpu.memory_space<vmem>>
    %dma_wait3A_132 = arith.constant 0 : i32
    %dma_wait3A_133 = arith.constant 0 : i32
    %dma_wait3A_134 = tpu.memref_slice %arg3[%dma_wait3A_132, %dma_wait3A_133] : memref<100000x128xf32, #tpu.memory_space<hbm>> -> memref<100000x128xf32, #tpu.memory_space<hbm>>
    tpu.wait_indirect_dma semaphore(%arg7 : memref<!tpu.dma_semaphore, #tpu.memory_space<semaphore_mem>>) src(%dma_wait3A_134 : memref<100000x128xf32, #tpu.memory_space<hbm>>) dst(%dma_wait3A_129 : memref<128x128xf32, #tpu.memory_space<vmem>>)
    %add3A_135 = arith.constant 256 : i32
    %add3A_136 = arith.addi %mul3A_2, %add3A_135 : i32
    %dma_start3A_137 = arith.constant 2 : i32
    %dma_start3A_138 = arith.constant 0 : i32
    %dma_start3A_139 = arith.constant 0 : i32
    %dma_start3A_140 = tpu.memref_slice %arg6[%dma_start3A_137, %dma_start3A_138, %dma_start3A_139] : memref<7x128x128xf32, #tpu.memory_space<vmem>> -> memref<1x128x128xf32, #tpu.memory_space<vmem>>
    %dma_start3A_141 = tpu.memref_squeeze %dma_start3A_140 : memref<1x128x128xf32, #tpu.memory_space<vmem>> -> memref<128x128xf32, #tpu.memory_space<vmem>>
    %dma_start3A_142 = arith.constant 0 : i32
    %dma_start3A_143 = tpu.memref_slice %arg4[%add3A_136, %dma_start3A_142] : memref<204800x128xf32, #tpu.memory_space<hbm>> -> memref<128x128xf32, #tpu.memory_space<hbm>>
    %dma_start3A_144 = arith.constant 0 : i32
    %dma_start3A_145 = tpu.memref_slice %arg4[%add3A_136, %dma_start3A_144] : memref<204800x128xf32, #tpu.memory_space<hbm>> -> memref<128x128xf32, #tpu.memory_space<hbm>>
    %dma_start3A_146 = arith.constant 0 : i32
    %dma_start3A_147 = arith.constant 0 : i32
    %dma_start3A_148 = tpu.memref_slice %arg6[%dma_start3A_137, %dma_start3A_146, %dma_start3A_147] : memref<7x128x128xf32, #tpu.memory_space<vmem>> -> memref<1x128x128xf32, #tpu.memory_space<vmem>>
    %dma_start3A_149 = tpu.memref_squeeze %dma_start3A_148 : memref<1x128x128xf32, #tpu.memory_space<vmem>> -> memref<128x128xf32, #tpu.memory_space<vmem>>
    tpu.enqueue_dma source(%dma_start3A_149 : memref<128x128xf32, #tpu.memory_space<vmem>>) target(%dma_start3A_145 : memref<128x128xf32, #tpu.memory_space<hbm>>) target_semaphore(%arg8 : memref<!tpu.dma_semaphore, #tpu.memory_space<semaphore_mem>>)
    %dma_start3A_150 = arith.constant 6 : i32
    %dma_start3A_151 = arith.constant 0 : i32
    %dma_start3A_152 = arith.constant 0 : i32
    %dma_start3A_153 = tpu.memref_slice %arg6[%dma_start3A_150, %dma_start3A_151, %dma_start3A_152] : memref<7x128x128xf32, #tpu.memory_space<vmem>> -> memref<1x128x128xf32, #tpu.memory_space<vmem>>
    %dma_start3A_154 = tpu.memref_squeeze %dma_start3A_153 : memref<1x128x128xf32, #tpu.memory_space<vmem>> -> memref<128x128xf32, #tpu.memory_space<vmem>>
    %dma_start3A_155 = arith.constant 768 : i32
    %dma_start3A_156 = tpu.memref_slice %arg5[%dma_start3A_155] : memref<6400xi32, #tpu.memory_space<vmem>> -> memref<128xi32, #tpu.memory_space<vmem>>
    %dma_start3A_157 = arith.constant 0 : i32
    %dma_start3A_158 = arith.constant 0 : i32
    %dma_start3A_159 = tpu.memref_slice %arg3[%dma_start3A_157, %dma_start3A_158] : memref<100000x128xf32, #tpu.memory_space<hbm>> -> memref<100000x128xf32, #tpu.memory_space<hbm>>
    tpu.enqueue_indirect_dma source(%dma_start3A_159 : memref<100000x128xf32, #tpu.memory_space<hbm>>) target(%dma_start3A_154 : memref<128x128xf32, #tpu.memory_space<vmem>>) offsets(%dma_start3A_156 : memref<128xi32, #tpu.memory_space<vmem>>) semaphore(%arg7 : memref<!tpu.dma_semaphore, #tpu.memory_space<semaphore_mem>>)
    %dma_wait3A_160 = arith.constant 3 : i32
    %dma_wait3A_161 = arith.constant 0 : i32
    %dma_wait3A_162 = arith.constant 0 : i32
    %dma_wait3A_163 = tpu.memref_slice %arg6[%dma_wait3A_160, %dma_wait3A_161, %dma_wait3A_162] : memref<7x128x128xf32, #tpu.memory_space<vmem>> -> memref<1x128x128xf32, #tpu.memory_space<vmem>>
    %dma_wait3A_164 = tpu.memref_squeeze %dma_wait3A_163 : memref<1x128x128xf32, #tpu.memory_space<vmem>> -> memref<128x128xf32, #tpu.memory_space<vmem>>
    %dma_wait3A_165 = arith.constant 0 : i32
    %dma_wait3A_166 = tpu.memref_slice %arg5[%dma_wait3A_165] : memref<6400xi32, #tpu.memory_space<vmem>> -> memref<128xi32, #tpu.memory_space<vmem>>
    %dma_wait3A_167 = arith.constant 0 : i32
    %dma_wait3A_168 = arith.constant 0 : i32
    %dma_wait3A_169 = tpu.memref_slice %arg3[%dma_wait3A_167, %dma_wait3A_168] : memref<100000x128xf32, #tpu.memory_space<hbm>> -> memref<100000x128xf32, #tpu.memory_space<hbm>>
    tpu.wait_indirect_dma semaphore(%arg7 : memref<!tpu.dma_semaphore, #tpu.memory_space<semaphore_mem>>) src(%dma_wait3A_169 : memref<100000x128xf32, #tpu.memory_space<hbm>>) dst(%dma_wait3A_164 : memref<128x128xf32, #tpu.memory_space<vmem>>)
    %add3A_170 = arith.constant 384 : i32
    %add3A_171 = arith.addi %mul3A_2, %add3A_170 : i32
    %dma_start3A_172 = arith.constant 3 : i32
    %dma_start3A_173 = arith.constant 0 : i32
    %dma_start3A_174 = arith.constant 0 : i32
    %dma_start3A_175 = tpu.memref_slice %arg6[%dma_start3A_172, %dma_start3A_173, %dma_start3A_174] : memref<7x128x128xf32, #tpu.memory_space<vmem>> -> memref<1x128x128xf32, #tpu.memory_space<vmem>>
    %dma_start3A_176 = tpu.memref_squeeze %dma_start3A_175 : memref<1x128x128xf32, #tpu.memory_space<vmem>> -> memref<128x128xf32, #tpu.memory_space<vmem>>
    %dma_start3A_177 = arith.constant 0 : i32
    %dma_start3A_178 = tpu.memref_slice %arg4[%add3A_171, %dma_start3A_177] : memref<204800x128xf32, #tpu.memory_space<hbm>> -> memref<128x128xf32, #tpu.memory_space<hbm>>
    %dma_start3A_179 = arith.constant 0 : i32
    %dma_start3A_180 = tpu.memref_slice %arg4[%add3A_171, %dma_start3A_179] : memref<204800x128xf32, #tpu.memory_space<hbm>> -> memref<128x128xf32, #tpu.memory_space<hbm>>
    %dma_start3A_181 = arith.constant 0 : i32
    %dma_start3A_182 = arith.constant 0 : i32
    %dma_start3A_183 = tpu.memref_slice %arg6[%dma_start3A_172, %dma_start3A_181, %dma_start3A_182] : memref<7x128x128xf32, #tpu.memory_space<vmem>> -> memref<1x128x128xf32, #tpu.memory_space<vmem>>
    %dma_start3A_184 = tpu.memref_squeeze %dma_start3A_183 : memref<1x128x128xf32, #tpu.memory_space<vmem>> -> memref<128x128xf32, #tpu.memory_space<vmem>>
    tpu.enqueue_dma source(%dma_start3A_184 : memref<128x128xf32, #tpu.memory_space<vmem>>) target(%dma_start3A_180 : memref<128x128xf32, #tpu.memory_space<hbm>>) target_semaphore(%arg8 : memref<!tpu.dma_semaphore, #tpu.memory_space<semaphore_mem>>)
    %dma_wait3A_185 = arith.constant 0 : i32
    %dma_wait3A_186 = arith.constant 0 : i32
    %dma_wait3A_187 = arith.constant 0 : i32
    %dma_wait3A_188 = tpu.memref_slice %arg6[%dma_wait3A_185, %dma_wait3A_186, %dma_wait3A_187] : memref<7x128x128xf32, #tpu.memory_space<vmem>> -> memref<1x128x128xf32, #tpu.memory_space<vmem>>
    %dma_wait3A_189 = tpu.memref_squeeze %dma_wait3A_188 : memref<1x128x128xf32, #tpu.memory_space<vmem>> -> memref<128x128xf32, #tpu.memory_space<vmem>>
    %dma_wait3A_190 = arith.constant 0 : i32
    %dma_wait3A_191 = tpu.memref_slice %arg4[%mul3A_2, %dma_wait3A_190] : memref<204800x128xf32, #tpu.memory_space<hbm>> -> memref<128x128xf32, #tpu.memory_space<hbm>>
    %dma_wait3A_192 = arith.constant 0 : i32
    %dma_wait3A_193 = tpu.memref_slice %arg4[%mul3A_2, %dma_wait3A_192] : memref<204800x128xf32, #tpu.memory_space<hbm>> -> memref<128x128xf32, #tpu.memory_space<hbm>>
    %dma_wait3A_194 = arith.constant 0 : i32
    %dma_wait3A_195 = arith.constant 0 : i32
    %dma_wait3A_196 = tpu.memref_slice %arg6[%dma_wait3A_185, %dma_wait3A_194, %dma_wait3A_195] : memref<7x128x128xf32, #tpu.memory_space<vmem>> -> memref<1x128x128xf32, #tpu.memory_space<vmem>>
    %dma_wait3A_197 = tpu.memref_squeeze %dma_wait3A_196 : memref<1x128x128xf32, #tpu.memory_space<vmem>> -> memref<128x128xf32, #tpu.memory_space<vmem>>
    tpu.wait_dma2 semaphore(%arg8 : memref<!tpu.dma_semaphore, #tpu.memory_space<semaphore_mem>>) src(%dma_wait3A_197 : memref<128x128xf32, #tpu.memory_space<vmem>>) dst(%dma_wait3A_193 : memref<128x128xf32, #tpu.memory_space<hbm>>)
    %dma_start3A_198 = arith.constant 0 : i32
    %dma_start3A_199 = arith.constant 0 : i32
    %dma_start3A_200 = arith.constant 0 : i32
    %dma_start3A_201 = tpu.memref_slice %arg6[%dma_start3A_198, %dma_start3A_199, %dma_start3A_200] : memref<7x128x128xf32, #tpu.memory_space<vmem>> -> memref<1x128x128xf32, #tpu.memory_space<vmem>>
    %dma_start3A_202 = tpu.memref_squeeze %dma_start3A_201 : memref<1x128x128xf32, #tpu.memory_space<vmem>> -> memref<128x128xf32, #tpu.memory_space<vmem>>
    %dma_start3A_203 = arith.constant 896 : i32
    %dma_start3A_204 = tpu.memref_slice %arg5[%dma_start3A_203] : memref<6400xi32, #tpu.memory_space<vmem>> -> memref<128xi32, #tpu.memory_space<vmem>>
    %dma_start3A_205 = arith.constant 0 : i32
    %dma_start3A_206 = arith.constant 0 : i32
    %dma_start3A_207 = tpu.memref_slice %arg3[%dma_start3A_205, %dma_start3A_206] : memref<100000x128xf32, #tpu.memory_space<hbm>> -> memref<100000x128xf32, #tpu.memory_space<hbm>>
    tpu.enqueue_indirect_dma source(%dma_start3A_207 : memref<100000x128xf32, #tpu.memory_space<hbm>>) target(%dma_start3A_202 : memref<128x128xf32, #tpu.memory_space<vmem>>) offsets(%dma_start3A_204 : memref<128xi32, #tpu.memory_space<vmem>>) semaphore(%arg7 : memref<!tpu.dma_semaphore, #tpu.memory_space<semaphore_mem>>)
    %dma_wait3A_208 = arith.constant 4 : i32
    %dma_wait3A_209 = arith.constant 0 : i32
    %dma_wait3A_210 = arith.constant 0 : i32
    %dma_wait3A_211 = tpu.memref_slice %arg6[%dma_wait3A_208, %dma_wait3A_209, %dma_wait3A_210] : memref<7x128x128xf32, #tpu.memory_space<vmem>> -> memref<1x128x128xf32, #tpu.memory_space<vmem>>
    %dma_wait3A_212 = tpu.memref_squeeze %dma_wait3A_211 : memref<1x128x128xf32, #tpu.memory_space<vmem>> -> memref<128x128xf32, #tpu.memory_space<vmem>>
    %dma_wait3A_213 = arith.constant 0 : i32
    %dma_wait3A_214 = tpu.memref_slice %arg5[%dma_wait3A_213] : memref<6400xi32, #tpu.memory_space<vmem>> -> memref<128xi32, #tpu.memory_space<vmem>>
    %dma_wait3A_215 = arith.constant 0 : i32
    %dma_wait3A_216 = arith.constant 0 : i32
    %dma_wait3A_217 = tpu.memref_slice %arg3[%dma_wait3A_215, %dma_wait3A_216] : memref<100000x128xf32, #tpu.memory_space<hbm>> -> memref<100000x128xf32, #tpu.memory_space<hbm>>
    tpu.wait_indirect_dma semaphore(%arg7 : memref<!tpu.dma_semaphore, #tpu.memory_space<semaphore_mem>>) src(%dma_wait3A_217 : memref<100000x128xf32, #tpu.memory_space<hbm>>) dst(%dma_wait3A_212 : memref<128x128xf32, #tpu.memory_space<vmem>>)
    %add3A_218 = arith.constant 512 : i32
    %add3A_219 = arith.addi %mul3A_2, %add3A_218 : i32
    %dma_start3A_220 = arith.constant 4 : i32
    %dma_start3A_221 = arith.constant 0 : i32
    %dma_start3A_222 = arith.constant 0 : i32
    %dma_start3A_223 = tpu.memref_slice %arg6[%dma_start3A_220, %dma_start3A_221, %dma_start3A_222] : memref<7x128x128xf32, #tpu.memory_space<vmem>> -> memref<1x128x128xf32, #tpu.memory_space<vmem>>
    %dma_start3A_224 = tpu.memref_squeeze %dma_start3A_223 : memref<1x128x128xf32, #tpu.memory_space<vmem>> -> memref<128x128xf32, #tpu.memory_space<vmem>>
    %dma_start3A_225 = arith.constant 0 : i32
    %dma_start3A_226 = tpu.memref_slice %arg4[%add3A_219, %dma_start3A_225] : memref<204800x128xf32, #tpu.memory_space<hbm>> -> memref<128x128xf32, #tpu.memory_space<hbm>>
    %dma_start3A_227 = arith.constant 0 : i32
    %dma_start3A_228 = tpu.memref_slice %arg4[%add3A_219, %dma_start3A_227] : memref<204800x128xf32, #tpu.memory_space<hbm>> -> memref<128x128xf32, #tpu.memory_space<hbm>>
    %dma_start3A_229 = arith.constant 0 : i32
    %dma_start3A_230 = arith.constant 0 : i32
    %dma_start3A_231 = tpu.memref_slice %arg6[%dma_start3A_220, %dma_start3A_229, %dma_start3A_230] : memref<7x128x128xf32, #tpu.memory_space<vmem>> -> memref<1x128x128xf32, #tpu.memory_space<vmem>>
    %dma_start3A_232 = tpu.memref_squeeze %dma_start3A_231 : memref<1x128x128xf32, #tpu.memory_space<vmem>> -> memref<128x128xf32, #tpu.memory_space<vmem>>
    tpu.enqueue_dma source(%dma_start3A_232 : memref<128x128xf32, #tpu.memory_space<vmem>>) target(%dma_start3A_228 : memref<128x128xf32, #tpu.memory_space<hbm>>) target_semaphore(%arg8 : memref<!tpu.dma_semaphore, #tpu.memory_space<semaphore_mem>>)
    %dma_wait3A_233 = arith.constant 1 : i32
    %dma_wait3A_234 = arith.constant 0 : i32
    %dma_wait3A_235 = arith.constant 0 : i32
    %dma_wait3A_236 = tpu.memref_slice %arg6[%dma_wait3A_233, %dma_wait3A_234, %dma_wait3A_235] : memref<7x128x128xf32, #tpu.memory_space<vmem>> -> memref<1x128x128xf32, #tpu.memory_space<vmem>>
    %dma_wait3A_237 = tpu.memref_squeeze %dma_wait3A_236 : memref<1x128x128xf32, #tpu.memory_space<vmem>> -> memref<128x128xf32, #tpu.memory_space<vmem>>
    %dma_wait3A_238 = arith.constant 0 : i32
    %dma_wait3A_239 = tpu.memref_slice %arg4[%mul3A_2, %dma_wait3A_238] : memref<204800x128xf32, #tpu.memory_space<hbm>> -> memref<128x128xf32, #tpu.memory_space<hbm>>
    %dma_wait3A_240 = arith.constant 0 : i32
    %dma_wait3A_241 = tpu.memref_slice %arg4[%mul3A_2, %dma_wait3A_240] : memref<204800x128xf32, #tpu.memory_space<hbm>> -> memref<128x128xf32, #tpu.memory_space<hbm>>
    %dma_wait3A_242 = arith.constant 0 : i32
    %dma_wait3A_243 = arith.constant 0 : i32
    %dma_wait3A_244 = tpu.memref_slice %arg6[%dma_wait3A_233, %dma_wait3A_242, %dma_wait3A_243] : memref<7x128x128xf32, #tpu.memory_space<vmem>> -> memref<1x128x128xf32, #tpu.memory_space<vmem>>
    %dma_wait3A_245 = tpu.memref_squeeze %dma_wait3A_244 : memref<1x128x128xf32, #tpu.memory_space<vmem>> -> memref<128x128xf32, #tpu.memory_space<vmem>>
    tpu.wait_dma2 semaphore(%arg8 : memref<!tpu.dma_semaphore, #tpu.memory_space<semaphore_mem>>) src(%dma_wait3A_245 : memref<128x128xf32, #tpu.memory_space<vmem>>) dst(%dma_wait3A_241 : memref<128x128xf32, #tpu.memory_space<hbm>>)
    %dma_start3A_246 = arith.constant 1 : i32
    %dma_start3A_247 = arith.constant 0 : i32
    %dma_start3A_248 = arith.constant 0 : i32
    %dma_start3A_249 = tpu.memref_slice %arg6[%dma_start3A_246, %dma_start3A_247, %dma_start3A_248] : memref<7x128x128xf32, #tpu.memory_space<vmem>> -> memref<1x128x128xf32, #tpu.memory_space<vmem>>
    %dma_start3A_250 = tpu.memref_squeeze %dma_start3A_249 : memref<1x128x128xf32, #tpu.memory_space<vmem>> -> memref<128x128xf32, #tpu.memory_space<vmem>>
    %dma_start3A_251 = arith.constant 1024 : i32
    %dma_start3A_252 = tpu.memref_slice %arg5[%dma_start3A_251] : memref<6400xi32, #tpu.memory_space<vmem>> -> memref<128xi32, #tpu.memory_space<vmem>>
    %dma_start3A_253 = arith.constant 0 : i32
    %dma_start3A_254 = arith.constant 0 : i32
    %dma_start3A_255 = tpu.memref_slice %arg3[%dma_start3A_253, %dma_start3A_254] : memref<100000x128xf32, #tpu.memory_space<hbm>> -> memref<100000x128xf32, #tpu.memory_space<hbm>>
    tpu.enqueue_indirect_dma source(%dma_start3A_255 : memref<100000x128xf32, #tpu.memory_space<hbm>>) target(%dma_start3A_250 : memref<128x128xf32, #tpu.memory_space<vmem>>) offsets(%dma_start3A_252 : memref<128xi32, #tpu.memory_space<vmem>>) semaphore(%arg7 : memref<!tpu.dma_semaphore, #tpu.memory_space<semaphore_mem>>)
    %dma_wait3A_256 = arith.constant 5 : i32
    %dma_wait3A_257 = arith.constant 0 : i32
    %dma_wait3A_258 = arith.constant 0 : i32
    %dma_wait3A_259 = tpu.memref_slice %arg6[%dma_wait3A_256, %dma_wait3A_257, %dma_wait3A_258] : memref<7x128x128xf32, #tpu.memory_space<vmem>> -> memref<1x128x128xf32, #tpu.memory_space<vmem>>
    %dma_wait3A_260 = tpu.memref_squeeze %dma_wait3A_259 : memref<1x128x128xf32, #tpu.memory_space<vmem>> -> memref<128x128xf32, #tpu.memory_space<vmem>>
    %dma_wait3A_261 = arith.constant 0 : i32
    %dma_wait3A_262 = tpu.memref_slice %arg5[%dma_wait3A_261] : memref<6400xi32, #tpu.memory_space<vmem>> -> memref<128xi32, #tpu.memory_space<vmem>>
    %dma_wait3A_263 = arith.constant 0 : i32
    %dma_wait3A_264 = arith.constant 0 : i32
    %dma_wait3A_265 = tpu.memref_slice %arg3[%dma_wait3A_263, %dma_wait3A_264] : memref<100000x128xf32, #tpu.memory_space<hbm>> -> memref<100000x128xf32, #tpu.memory_space<hbm>>
    tpu.wait_indirect_dma semaphore(%arg7 : memref<!tpu.dma_semaphore, #tpu.memory_space<semaphore_mem>>) src(%dma_wait3A_265 : memref<100000x128xf32, #tpu.memory_space<hbm>>) dst(%dma_wait3A_260 : memref<128x128xf32, #tpu.memory_space<vmem>>)
    %add3A_266 = arith.constant 640 : i32
    %add3A_267 = arith.addi %mul3A_2, %add3A_266 : i32
    %dma_start3A_268 = arith.constant 5 : i32
    %dma_start3A_269 = arith.constant 0 : i32
    %dma_start3A_270 = arith.constant 0 : i32
    %dma_start3A_271 = tpu.memref_slice %arg6[%dma_start3A_268, %dma_start3A_269, %dma_start3A_270] : memref<7x128x128xf32, #tpu.memory_space<vmem>> -> memref<1x128x128xf32, #tpu.memory_space<vmem>>
    %dma_start3A_272 = tpu.memref_squeeze %dma_start3A_271 : memref<1x128x128xf32, #tpu.memory_space<vmem>> -> memref<128x128xf32, #tpu.memory_space<vmem>>
    %dma_start3A_273 = arith.constant 0 : i32
    %dma_start3A_274 = tpu.memref_slice %arg4[%add3A_267, %dma_start3A_273] : memref<204800x128xf32, #tpu.memory_space<hbm>> -> memref<128x128xf32, #tpu.memory_space<hbm>>
    %dma_start3A_275 = arith.constant 0 : i32
    %dma_start3A_276 = tpu.memref_slice %arg4[%add3A_267, %dma_start3A_275] : memref<204800x128xf32, #tpu.memory_space<hbm>> -> memref<128x128xf32, #tpu.memory_space<hbm>>
    %dma_start3A_277 = arith.constant 0 : i32
    %dma_start3A_278 = arith.constant 0 : i32
    %dma_start3A_279 = tpu.memref_slice %arg6[%dma_start3A_268, %dma_start3A_277, %dma_start3A_278] : memref<7x128x128xf32, #tpu.memory_space<vmem>> -> memref<1x128x128xf32, #tpu.memory_space<vmem>>
    %dma_start3A_280 = tpu.memref_squeeze %dma_start3A_279 : memref<1x128x128xf32, #tpu.memory_space<vmem>> -> memref<128x128xf32, #tpu.memory_space<vmem>>
    tpu.enqueue_dma source(%dma_start3A_280 : memref<128x128xf32, #tpu.memory_space<vmem>>) target(%dma_start3A_276 : memref<128x128xf32, #tpu.memory_space<hbm>>) target_semaphore(%arg8 : memref<!tpu.dma_semaphore, #tpu.memory_space<semaphore_mem>>)
    %dma_wait3A_281 = arith.constant 2 : i32
    %dma_wait3A_282 = arith.constant 0 : i32
    %dma_wait3A_283 = arith.constant 0 : i32
    %dma_wait3A_284 = tpu.memref_slice %arg6[%dma_wait3A_281, %dma_wait3A_282, %dma_wait3A_283] : memref<7x128x128xf32, #tpu.memory_space<vmem>> -> memref<1x128x128xf32, #tpu.memory_space<vmem>>
    %dma_wait3A_285 = tpu.memref_squeeze %dma_wait3A_284 : memref<1x128x128xf32, #tpu.memory_space<vmem>> -> memref<128x128xf32, #tpu.memory_space<vmem>>
    %dma_wait3A_286 = arith.constant 0 : i32
    %dma_wait3A_287 = tpu.memref_slice %arg4[%mul3A_2, %dma_wait3A_286] : memref<204800x128xf32, #tpu.memory_space<hbm>> -> memref<128x128xf32, #tpu.memory_space<hbm>>
    %dma_wait3A_288 = arith.constant 0 : i32
    %dma_wait3A_289 = tpu.memref_slice %arg4[%mul3A_2, %dma_wait3A_288] : memref<204800x128xf32, #tpu.memory_space<hbm>> -> memref<128x128xf32, #tpu.memory_space<hbm>>
    %dma_wait3A_290 = arith.constant 0 : i32
    %dma_wait3A_291 = arith.constant 0 : i32
    %dma_wait3A_292 = tpu.memref_slice %arg6[%dma_wait3A_281, %dma_wait3A_290, %dma_wait3A_291] : memref<7x128x128xf32, #tpu.memory_space<vmem>> -> memref<1x128x128xf32, #tpu.memory_space<vmem>>
    %dma_wait3A_293 = tpu.memref_squeeze %dma_wait3A_292 : memref<1x128x128xf32, #tpu.memory_space<vmem>> -> memref<128x128xf32, #tpu.memory_space<vmem>>
    tpu.wait_dma2 semaphore(%arg8 : memref<!tpu.dma_semaphore, #tpu.memory_space<semaphore_mem>>) src(%dma_wait3A_293 : memref<128x128xf32, #tpu.memory_space<vmem>>) dst(%dma_wait3A_289 : memref<128x128xf32, #tpu.memory_space<hbm>>)
    %dma_start3A_294 = arith.constant 2 : i32
    %dma_start3A_295 = arith.constant 0 : i32
    %dma_start3A_296 = arith.constant 0 : i32
    %dma_start3A_297 = tpu.memref_slice %arg6[%dma_start3A_294, %dma_start3A_295, %dma_start3A_296] : memref<7x128x128xf32, #tpu.memory_space<vmem>> -> memref<1x128x128xf32, #tpu.memory_space<vmem>>
    %dma_start3A_298 = tpu.memref_squeeze %dma_start3A_297 : memref<1x128x128xf32, #tpu.memory_space<vmem>> -> memref<128x128xf32, #tpu.memory_space<vmem>>
    %dma_start3A_299 = arith.constant 1152 : i32
    %dma_start3A_300 = tpu.memref_slice %arg5[%dma_start3A_299] : memref<6400xi32, #tpu.memory_space<vmem>> -> memref<128xi32, #tpu.memory_space<vmem>>
    %dma_start3A_301 = arith.constant 0 : i32
    %dma_start3A_302 = arith.constant 0 : i32
    %dma_start3A_303 = tpu.memref_slice %arg3[%dma_start3A_301, %dma_start3A_302] : memref<100000x128xf32, #tpu.memory_space<hbm>> -> memref<100000x128xf32, #tpu.memory_space<hbm>>
    tpu.enqueue_indirect_dma source(%dma_start3A_303 : memref<100000x128xf32, #tpu.memory_space<hbm>>) target(%dma_start3A_298 : memref<128x128xf32, #tpu.memory_space<vmem>>) offsets(%dma_start3A_300 : memref<128xi32, #tpu.memory_space<vmem>>) semaphore(%arg7 : memref<!tpu.dma_semaphore, #tpu.memory_space<semaphore_mem>>)
    %dma_wait3A_304 = arith.constant 6 : i32
    %dma_wait3A_305 = arith.constant 0 : i32
    %dma_wait3A_306 = arith.constant 0 : i32
    %dma_wait3A_307 = tpu.memref_slice %arg6[%dma_wait3A_304, %dma_wait3A_305, %dma_wait3A_306] : memref<7x128x128xf32, #tpu.memory_space<vmem>> -> memref<1x128x128xf32, #tpu.memory_space<vmem>>
    %dma_wait3A_308 = tpu.memref_squeeze %dma_wait3A_307 : memref<1x128x128xf32, #tpu.memory_space<vmem>> -> memref<128x128xf32, #tpu.memory_space<vmem>>
    %dma_wait3A_309 = arith.constant 0 : i32
    %dma_wait3A_310 = tpu.memref_slice %arg5[%dma_wait3A_309] : memref<6400xi32, #tpu.memory_space<vmem>> -> memref<128xi32, #tpu.memory_space<vmem>>
    %dma_wait3A_311 = arith.constant 0 : i32
    %dma_wait3A_312 = arith.constant 0 : i32
    %dma_wait3A_313 = tpu.memref_slice %arg3[%dma_wait3A_311, %dma_wait3A_312] : memref<100000x128xf32, #tpu.memory_space<hbm>> -> memref<100000x128xf32, #tpu.memory_space<hbm>>
    tpu.wait_indirect_dma semaphore(%arg7 : memref<!tpu.dma_semaphore, #tpu.memory_space<semaphore_mem>>) src(%dma_wait3A_313 : memref<100000x128xf32, #tpu.memory_space<hbm>>) dst(%dma_wait3A_308 : memref<128x128xf32, #tpu.memory_space<vmem>>)
    %add3A_314 = arith.constant 768 : i32
    %add3A_315 = arith.addi %mul3A_2, %add3A_314 : i32
    %dma_start3A_316 = arith.constant 6 : i32
    %dma_start3A_317 = arith.constant 0 : i32
    %dma_start3A_318 = arith.constant 0 : i32
    %dma_start3A_319 = tpu.memref_slice %arg6[%dma_start3A_316, %dma_start3A_317, %dma_start3A_318] : memref<7x128x128xf32, #tpu.memory_space<vmem>> -> memref<1x128x128xf32, #tpu.memory_space<vmem>>
    %dma_start3A_320 = tpu.memref_squeeze %dma_start3A_319 : memref<1x128x128xf32, #tpu.memory_space<vmem>> -> memref<128x128xf32, #tpu.memory_space<vmem>>
    %dma_start3A_321 = arith.constant 0 : i32
    %dma_start3A_322 = tpu.memref_slice %arg4[%add3A_315, %dma_start3A_321] : memref<204800x128xf32, #tpu.memory_space<hbm>> -> memref<128x128xf32, #tpu.memory_space<hbm>>
    %dma_start3A_323 = arith.constant 0 : i32
    %dma_start3A_324 = tpu.memref_slice %arg4[%add3A_315, %dma_start3A_323] : memref<204800x128xf32, #tpu.memory_space<hbm>> -> memref<128x128xf32, #tpu.memory_space<hbm>>
    %dma_start3A_325 = arith.constant 0 : i32
    %dma_start3A_326 = arith.constant 0 : i32
    %dma_start3A_327 = tpu.memref_slice %arg6[%dma_start3A_316, %dma_start3A_325, %dma_start3A_326] : memref<7x128x128xf32, #tpu.memory_space<vmem>> -> memref<1x128x128xf32, #tpu.memory_space<vmem>>
    %dma_start3A_328 = tpu.memref_squeeze %dma_start3A_327 : memref<1x128x128xf32, #tpu.memory_space<vmem>> -> memref<128x128xf32, #tpu.memory_space<vmem>>
    tpu.enqueue_dma source(%dma_start3A_328 : memref<128x128xf32, #tpu.memory_space<vmem>>) target(%dma_start3A_324 : memref<128x128xf32, #tpu.memory_space<hbm>>) target_semaphore(%arg8 : memref<!tpu.dma_semaphore, #tpu.memory_space<semaphore_mem>>)
    %dma_wait3A_329 = arith.constant 3 : i32
    %dma_wait3A_330 = arith.constant 0 : i32
    %dma_wait3A_331 = arith.constant 0 : i32
    %dma_wait3A_332 = tpu.memref_slice %arg6[%dma_wait3A_329, %dma_wait3A_330, %dma_wait3A_331] : memref<7x128x128xf32, #tpu.memory_space<vmem>> -> memref<1x128x128xf32, #tpu.memory_space<vmem>>
    %dma_wait3A_333 = tpu.memref_squeeze %dma_wait3A_332 : memref<1x128x128xf32, #tpu.memory_space<vmem>> -> memref<128x128xf32, #tpu.memory_space<vmem>>
    %dma_wait3A_334 = arith.constant 0 : i32
    %dma_wait3A_335 = tpu.memref_slice %arg4[%mul3A_2, %dma_wait3A_334] : memref<204800x128xf32, #tpu.memory_space<hbm>> -> memref<128x128xf32, #tpu.memory_space<hbm>>
    %dma_wait3A_336 = arith.constant 0 : i32
    %dma_wait3A_337 = tpu.memref_slice %arg4[%mul3A_2, %dma_wait3A_336] : memref<204800x128xf32, #tpu.memory_space<hbm>> -> memref<128x128xf32, #tpu.memory_space<hbm>>
    %dma_wait3A_338 = arith.constant 0 : i32
    %dma_wait3A_339 = arith.constant 0 : i32
    %dma_wait3A_340 = tpu.memref_slice %arg6[%dma_wait3A_329, %dma_wait3A_338, %dma_wait3A_339] : memref<7x128x128xf32, #tpu.memory_space<vmem>> -> memref<1x128x128xf32, #tpu.memory_space<vmem>>
    %dma_wait3A_341 = tpu.memref_squeeze %dma_wait3A_340 : memref<1x128x128xf32, #tpu.memory_space<vmem>> -> memref<128x128xf32, #tpu.memory_space<vmem>>
    tpu.wait_dma2 semaphore(%arg8 : memref<!tpu.dma_semaphore, #tpu.memory_space<semaphore_mem>>) src(%dma_wait3A_341 : memref<128x128xf32, #tpu.memory_space<vmem>>) dst(%dma_wait3A_337 : memref<128x128xf32, #tpu.memory_space<hbm>>)
    %dma_start3A_342 = arith.constant 3 : i32
    %dma_start3A_343 = arith.constant 0 : i32
    %dma_start3A_344 = arith.constant 0 : i32
    %dma_start3A_345 = tpu.memref_slice %arg6[%dma_start3A_342, %dma_start3A_343, %dma_start3A_344] : memref<7x128x128xf32, #tpu.memory_space<vmem>> -> memref<1x128x128xf32, #tpu.memory_space<vmem>>
    %dma_start3A_346 = tpu.memref_squeeze %dma_start3A_345 : memref<1x128x128xf32, #tpu.memory_space<vmem>> -> memref<128x128xf32, #tpu.memory_space<vmem>>
    %dma_start3A_347 = arith.constant 1280 : i32
    %dma_start3A_348 = tpu.memref_slice %arg5[%dma_start3A_347] : memref<6400xi32, #tpu.memory_space<vmem>> -> memref<128xi32, #tpu.memory_space<vmem>>
    %dma_start3A_349 = arith.constant 0 : i32
    %dma_start3A_350 = arith.constant 0 : i32
    %dma_start3A_351 = tpu.memref_slice %arg3[%dma_start3A_349, %dma_start3A_350] : memref<100000x128xf32, #tpu.memory_space<hbm>> -> memref<100000x128xf32, #tpu.memory_space<hbm>>
    tpu.enqueue_indirect_dma source(%dma_start3A_351 : memref<100000x128xf32, #tpu.memory_space<hbm>>) target(%dma_start3A_346 : memref<128x128xf32, #tpu.memory_space<vmem>>) offsets(%dma_start3A_348 : memref<128xi32, #tpu.memory_space<vmem>>) semaphore(%arg7 : memref<!tpu.dma_semaphore, #tpu.memory_space<semaphore_mem>>)
    %scan3A = arith.constant 0 : i32
    %scan3A_352 = arith.constant 5 : i32
    %scan3A_353 = arith.addi %scan3A, %scan3A_352 : i32
    %scan3A_354 = arith.constant 1 : i32
    scf.for %scan3A_739 = %scan3A to %scan3A_353 step %scan3A_354  : i32 {
      %mul3A_740 = arith.constant 7 : i32
      %mul3A_741 = arith.muli %scan3A_739, %mul3A_740 : i32
      %add3A_742 = arith.constant 7 : i32
      %add3A_743 = arith.addi %add3A_742, %mul3A_741 : i32
      %add3A_744 = arith.constant 0 : i32
      %add3A_745 = arith.addi %add3A_743, %add3A_744 : i32
      %dma_wait3A_746 = arith.constant 0 : i32
      %dma_wait3A_747 = arith.constant 0 : i32
      %dma_wait3A_748 = arith.constant 0 : i32
      %dma_wait3A_749 = tpu.memref_slice %arg6[%dma_wait3A_746, %dma_wait3A_747, %dma_wait3A_748] : memref<7x128x128xf32, #tpu.memory_space<vmem>> -> memref<1x128x128xf32, #tpu.memory_space<vmem>>
      %dma_wait3A_750 = tpu.memref_squeeze %dma_wait3A_749 : memref<1x128x128xf32, #tpu.memory_space<vmem>> -> memref<128x128xf32, #tpu.memory_space<vmem>>
      %dma_wait3A_751 = arith.constant 0 : i32
      %dma_wait3A_752 = tpu.memref_slice %arg5[%dma_wait3A_751] : memref<6400xi32, #tpu.memory_space<vmem>> -> memref<128xi32, #tpu.memory_space<vmem>>
      %dma_wait3A_753 = arith.constant 0 : i32
      %dma_wait3A_754 = arith.constant 0 : i32
      %dma_wait3A_755 = tpu.memref_slice %arg3[%dma_wait3A_753, %dma_wait3A_754] : memref<100000x128xf32, #tpu.memory_space<hbm>> -> memref<100000x128xf32, #tpu.memory_space<hbm>>
      tpu.wait_indirect_dma semaphore(%arg7 : memref<!tpu.dma_semaphore, #tpu.memory_space<semaphore_mem>>) src(%dma_wait3A_755 : memref<100000x128xf32, #tpu.memory_space<hbm>>) dst(%dma_wait3A_750 : memref<128x128xf32, #tpu.memory_space<vmem>>)
      %mul3A_756 = arith.constant 128 : i32
      %mul3A_757 = arith.muli %add3A_745, %mul3A_756 : i32
      %add3A_758 = arith.addi %mul3A_2, %mul3A_757 : i32
      %dma_start3A_759 = arith.constant 0 : i32
      %dma_start3A_760 = arith.constant 0 : i32
      %dma_start3A_761 = arith.constant 0 : i32
      %dma_start3A_762 = tpu.memref_slice %arg6[%dma_start3A_759, %dma_start3A_760, %dma_start3A_761] : memref<7x128x128xf32, #tpu.memory_space<vmem>> -> memref<1x128x128xf32, #tpu.memory_space<vmem>>
      %dma_start3A_763 = tpu.memref_squeeze %dma_start3A_762 : memref<1x128x128xf32, #tpu.memory_space<vmem>> -> memref<128x128xf32, #tpu.memory_space<vmem>>
      %dma_start3A_764 = arith.constant 0 : i32
      %dma_start3A_765 = tpu.memref_slice %arg4[%add3A_758, %dma_start3A_764] : memref<204800x128xf32, #tpu.memory_space<hbm>> -> memref<128x128xf32, #tpu.memory_space<hbm>>
      %dma_start3A_766 = arith.constant 0 : i32
      %dma_start3A_767 = tpu.memref_slice %arg4[%add3A_758, %dma_start3A_766] : memref<204800x128xf32, #tpu.memory_space<hbm>> -> memref<128x128xf32, #tpu.memory_space<hbm>>
      %dma_start3A_768 = arith.constant 0 : i32
      %dma_start3A_769 = arith.constant 0 : i32
      %dma_start3A_770 = tpu.memref_slice %arg6[%dma_start3A_759, %dma_start3A_768, %dma_start3A_769] : memref<7x128x128xf32, #tpu.memory_space<vmem>> -> memref<1x128x128xf32, #tpu.memory_space<vmem>>
      %dma_start3A_771 = tpu.memref_squeeze %dma_start3A_770 : memref<1x128x128xf32, #tpu.memory_space<vmem>> -> memref<128x128xf32, #tpu.memory_space<vmem>>
      tpu.enqueue_dma source(%dma_start3A_771 : memref<128x128xf32, #tpu.memory_space<vmem>>) target(%dma_start3A_767 : memref<128x128xf32, #tpu.memory_space<hbm>>) target_semaphore(%arg8 : memref<!tpu.dma_semaphore, #tpu.memory_space<semaphore_mem>>)
      %dma_wait3A_772 = arith.constant 4 : i32
      %dma_wait3A_773 = arith.constant 0 : i32
      %dma_wait3A_774 = arith.constant 0 : i32
      %dma_wait3A_775 = tpu.memref_slice %arg6[%dma_wait3A_772, %dma_wait3A_773, %dma_wait3A_774] : memref<7x128x128xf32, #tpu.memory_space<vmem>> -> memref<1x128x128xf32, #tpu.memory_space<vmem>>
      %dma_wait3A_776 = tpu.memref_squeeze %dma_wait3A_775 : memref<1x128x128xf32, #tpu.memory_space<vmem>> -> memref<128x128xf32, #tpu.memory_space<vmem>>
      %dma_wait3A_777 = arith.constant 0 : i32
      %dma_wait3A_778 = tpu.memref_slice %arg4[%mul3A_2, %dma_wait3A_777] : memref<204800x128xf32, #tpu.memory_space<hbm>> -> memref<128x128xf32, #tpu.memory_space<hbm>>
      %dma_wait3A_779 = arith.constant 0 : i32
      %dma_wait3A_780 = tpu.memref_slice %arg4[%mul3A_2, %dma_wait3A_779] : memref<204800x128xf32, #tpu.memory_space<hbm>> -> memref<128x128xf32, #tpu.memory_space<hbm>>
      %dma_wait3A_781 = arith.constant 0 : i32
      %dma_wait3A_782 = arith.constant 0 : i32
      %dma_wait3A_783 = tpu.memref_slice %arg6[%dma_wait3A_772, %dma_wait3A_781, %dma_wait3A_782] : memref<7x128x128xf32, #tpu.memory_space<vmem>> -> memref<1x128x128xf32, #tpu.memory_space<vmem>>
      %dma_wait3A_784 = tpu.memref_squeeze %dma_wait3A_783 : memref<1x128x128xf32, #tpu.memory_space<vmem>> -> memref<128x128xf32, #tpu.memory_space<vmem>>
      tpu.wait_dma2 semaphore(%arg8 : memref<!tpu.dma_semaphore, #tpu.memory_space<semaphore_mem>>) src(%dma_wait3A_784 : memref<128x128xf32, #tpu.memory_space<vmem>>) dst(%dma_wait3A_780 : memref<128x128xf32, #tpu.memory_space<hbm>>)
      %add3A_785 = arith.constant 4 : i32
      %add3A_786 = arith.addi %add3A_745, %add3A_785 : i32
      %mul3A_787 = arith.constant 128 : i32
      %mul3A_788 = arith.muli %add3A_786, %mul3A_787 : i32
      %dma_start3A_789 = arith.constant 4 : i32
      %dma_start3A_790 = arith.constant 0 : i32
      %dma_start3A_791 = arith.constant 0 : i32
      %dma_start3A_792 = tpu.memref_slice %arg6[%dma_start3A_789, %dma_start3A_790, %dma_start3A_791] : memref<7x128x128xf32, #tpu.memory_space<vmem>> -> memref<1x128x128xf32, #tpu.memory_space<vmem>>
      %dma_start3A_793 = tpu.memref_squeeze %dma_start3A_792 : memref<1x128x128xf32, #tpu.memory_space<vmem>> -> memref<128x128xf32, #tpu.memory_space<vmem>>
      %dma_start3A_794 = tpu.memref_slice %arg5[%mul3A_788] : memref<6400xi32, #tpu.memory_space<vmem>> -> memref<128xi32, #tpu.memory_space<vmem>>
      %dma_start3A_795 = arith.constant 0 : i32
      %dma_start3A_796 = arith.constant 0 : i32
      %dma_start3A_797 = tpu.memref_slice %arg3[%dma_start3A_795, %dma_start3A_796] : memref<100000x128xf32, #tpu.memory_space<hbm>> -> memref<100000x128xf32, #tpu.memory_space<hbm>>
      tpu.enqueue_indirect_dma source(%dma_start3A_797 : memref<100000x128xf32, #tpu.memory_space<hbm>>) target(%dma_start3A_793 : memref<128x128xf32, #tpu.memory_space<vmem>>) offsets(%dma_start3A_794 : memref<128xi32, #tpu.memory_space<vmem>>) semaphore(%arg7 : memref<!tpu.dma_semaphore, #tpu.memory_space<semaphore_mem>>)
      %add3A_798 = arith.constant 1 : i32
      %add3A_799 = arith.addi %add3A_743, %add3A_798 : i32
      %dma_wait3A_800 = arith.constant 1 : i32
      %dma_wait3A_801 = arith.constant 0 : i32
      %dma_wait3A_802 = arith.constant 0 : i32
      %dma_wait3A_803 = tpu.memref_slice %arg6[%dma_wait3A_800, %dma_wait3A_801, %dma_wait3A_802] : memref<7x128x128xf32, #tpu.memory_space<vmem>> -> memref<1x128x128xf32, #tpu.memory_space<vmem>>
      %dma_wait3A_804 = tpu.memref_squeeze %dma_wait3A_803 : memref<1x128x128xf32, #tpu.memory_space<vmem>> -> memref<128x128xf32, #tpu.memory_space<vmem>>
      %dma_wait3A_805 = arith.constant 0 : i32
      %dma_wait3A_806 = tpu.memref_slice %arg5[%dma_wait3A_805] : memref<6400xi32, #tpu.memory_space<vmem>> -> memref<128xi32, #tpu.memory_space<vmem>>
      %dma_wait3A_807 = arith.constant 0 : i32
      %dma_wait3A_808 = arith.constant 0 : i32
      %dma_wait3A_809 = tpu.memref_slice %arg3[%dma_wait3A_807, %dma_wait3A_808] : memref<100000x128xf32, #tpu.memory_space<hbm>> -> memref<100000x128xf32, #tpu.memory_space<hbm>>
      tpu.wait_indirect_dma semaphore(%arg7 : memref<!tpu.dma_semaphore, #tpu.memory_space<semaphore_mem>>) src(%dma_wait3A_809 : memref<100000x128xf32, #tpu.memory_space<hbm>>) dst(%dma_wait3A_804 : memref<128x128xf32, #tpu.memory_space<vmem>>)
      %mul3A_810 = arith.constant 128 : i32
      %mul3A_811 = arith.muli %add3A_799, %mul3A_810 : i32
      %add3A_812 = arith.addi %mul3A_2, %mul3A_811 : i32
      %dma_start3A_813 = arith.constant 1 : i32
      %dma_start3A_814 = arith.constant 0 : i32
      %dma_start3A_815 = arith.constant 0 : i32
      %dma_start3A_816 = tpu.memref_slice %arg6[%dma_start3A_813, %dma_start3A_814, %dma_start3A_815] : memref<7x128x128xf32, #tpu.memory_space<vmem>> -> memref<1x128x128xf32, #tpu.memory_space<vmem>>
      %dma_start3A_817 = tpu.memref_squeeze %dma_start3A_816 : memref<1x128x128xf32, #tpu.memory_space<vmem>> -> memref<128x128xf32, #tpu.memory_space<vmem>>
      %dma_start3A_818 = arith.constant 0 : i32
      %dma_start3A_819 = tpu.memref_slice %arg4[%add3A_812, %dma_start3A_818] : memref<204800x128xf32, #tpu.memory_space<hbm>> -> memref<128x128xf32, #tpu.memory_space<hbm>>
      %dma_start3A_820 = arith.constant 0 : i32
      %dma_start3A_821 = tpu.memref_slice %arg4[%add3A_812, %dma_start3A_820] : memref<204800x128xf32, #tpu.memory_space<hbm>> -> memref<128x128xf32, #tpu.memory_space<hbm>>
      %dma_start3A_822 = arith.constant 0 : i32
      %dma_start3A_823 = arith.constant 0 : i32
      %dma_start3A_824 = tpu.memref_slice %arg6[%dma_start3A_813, %dma_start3A_822, %dma_start3A_823] : memref<7x128x128xf32, #tpu.memory_space<vmem>> -> memref<1x128x128xf32, #tpu.memory_space<vmem>>
      %dma_start3A_825 = tpu.memref_squeeze %dma_start3A_824 : memref<1x128x128xf32, #tpu.memory_space<vmem>> -> memref<128x128xf32, #tpu.memory_space<vmem>>
      tpu.enqueue_dma source(%dma_start3A_825 : memref<128x128xf32, #tpu.memory_space<vmem>>) target(%dma_start3A_821 : memref<128x128xf32, #tpu.memory_space<hbm>>) target_semaphore(%arg8 : memref<!tpu.dma_semaphore, #tpu.memory_space<semaphore_mem>>)
      %dma_wait3A_826 = arith.constant 5 : i32
      %dma_wait3A_827 = arith.constant 0 : i32
      %dma_wait3A_828 = arith.constant 0 : i32
      %dma_wait3A_829 = tpu.memref_slice %arg6[%dma_wait3A_826, %dma_wait3A_827, %dma_wait3A_828] : memref<7x128x128xf32, #tpu.memory_space<vmem>> -> memref<1x128x128xf32, #tpu.memory_space<vmem>>
      %dma_wait3A_830 = tpu.memref_squeeze %dma_wait3A_829 : memref<1x128x128xf32, #tpu.memory_space<vmem>> -> memref<128x128xf32, #tpu.memory_space<vmem>>
      %dma_wait3A_831 = arith.constant 0 : i32
      %dma_wait3A_832 = tpu.memref_slice %arg4[%mul3A_2, %dma_wait3A_831] : memref<204800x128xf32, #tpu.memory_space<hbm>> -> memref<128x128xf32, #tpu.memory_space<hbm>>
      %dma_wait3A_833 = arith.constant 0 : i32
      %dma_wait3A_834 = tpu.memref_slice %arg4[%mul3A_2, %dma_wait3A_833] : memref<204800x128xf32, #tpu.memory_space<hbm>> -> memref<128x128xf32, #tpu.memory_space<hbm>>
      %dma_wait3A_835 = arith.constant 0 : i32
      %dma_wait3A_836 = arith.constant 0 : i32
      %dma_wait3A_837 = tpu.memref_slice %arg6[%dma_wait3A_826, %dma_wait3A_835, %dma_wait3A_836] : memref<7x128x128xf32, #tpu.memory_space<vmem>> -> memref<1x128x128xf32, #tpu.memory_space<vmem>>
      %dma_wait3A_838 = tpu.memref_squeeze %dma_wait3A_837 : memref<1x128x128xf32, #tpu.memory_space<vmem>> -> memref<128x128xf32, #tpu.memory_space<vmem>>
      tpu.wait_dma2 semaphore(%arg8 : memref<!tpu.dma_semaphore, #tpu.memory_space<semaphore_mem>>) src(%dma_wait3A_838 : memref<128x128xf32, #tpu.memory_space<vmem>>) dst(%dma_wait3A_834 : memref<128x128xf32, #tpu.memory_space<hbm>>)
      %add3A_839 = arith.constant 4 : i32
      %add3A_840 = arith.addi %add3A_799, %add3A_839 : i32
      %mul3A_841 = arith.constant 128 : i32
      %mul3A_842 = arith.muli %add3A_840, %mul3A_841 : i32
      %dma_start3A_843 = arith.constant 5 : i32
      %dma_start3A_844 = arith.constant 0 : i32
      %dma_start3A_845 = arith.constant 0 : i32
      %dma_start3A_846 = tpu.memref_slice %arg6[%dma_start3A_843, %dma_start3A_844, %dma_start3A_845] : memref<7x128x128xf32, #tpu.memory_space<vmem>> -> memref<1x128x128xf32, #tpu.memory_space<vmem>>
      %dma_start3A_847 = tpu.memref_squeeze %dma_start3A_846 : memref<1x128x128xf32, #tpu.memory_space<vmem>> -> memref<128x128xf32, #tpu.memory_space<vmem>>
      %dma_start3A_848 = tpu.memref_slice %arg5[%mul3A_842] : memref<6400xi32, #tpu.memory_space<vmem>> -> memref<128xi32, #tpu.memory_space<vmem>>
      %dma_start3A_849 = arith.constant 0 : i32
      %dma_start3A_850 = arith.constant 0 : i32
      %dma_start3A_851 = tpu.memref_slice %arg3[%dma_start3A_849, %dma_start3A_850] : memref<100000x128xf32, #tpu.memory_space<hbm>> -> memref<100000x128xf32, #tpu.memory_space<hbm>>
      tpu.enqueue_indirect_dma source(%dma_start3A_851 : memref<100000x128xf32, #tpu.memory_space<hbm>>) target(%dma_start3A_847 : memref<128x128xf32, #tpu.memory_space<vmem>>) offsets(%dma_start3A_848 : memref<128xi32, #tpu.memory_space<vmem>>) semaphore(%arg7 : memref<!tpu.dma_semaphore, #tpu.memory_space<semaphore_mem>>)
      %add3A_852 = arith.constant 2 : i32
      %add3A_853 = arith.addi %add3A_743, %add3A_852 : i32
      %dma_wait3A_854 = arith.constant 2 : i32
      %dma_wait3A_855 = arith.constant 0 : i32
      %dma_wait3A_856 = arith.constant 0 : i32
      %dma_wait3A_857 = tpu.memref_slice %arg6[%dma_wait3A_854, %dma_wait3A_855, %dma_wait3A_856] : memref<7x128x128xf32, #tpu.memory_space<vmem>> -> memref<1x128x128xf32, #tpu.memory_space<vmem>>
      %dma_wait3A_858 = tpu.memref_squeeze %dma_wait3A_857 : memref<1x128x128xf32, #tpu.memory_space<vmem>> -> memref<128x128xf32, #tpu.memory_space<vmem>>
      %dma_wait3A_859 = arith.constant 0 : i32
      %dma_wait3A_860 = tpu.memref_slice %arg5[%dma_wait3A_859] : memref<6400xi32, #tpu.memory_space<vmem>> -> memref<128xi32, #tpu.memory_space<vmem>>
      %dma_wait3A_861 = arith.constant 0 : i32
      %dma_wait3A_862 = arith.constant 0 : i32
      %dma_wait3A_863 = tpu.memref_slice %arg3[%dma_wait3A_861, %dma_wait3A_862] : memref<100000x128xf32, #tpu.memory_space<hbm>> -> memref<100000x128xf32, #tpu.memory_space<hbm>>
      tpu.wait_indirect_dma semaphore(%arg7 : memref<!tpu.dma_semaphore, #tpu.memory_space<semaphore_mem>>) src(%dma_wait3A_863 : memref<100000x128xf32, #tpu.memory_space<hbm>>) dst(%dma_wait3A_858 : memref<128x128xf32, #tpu.memory_space<vmem>>)
      %mul3A_864 = arith.constant 128 : i32
      %mul3A_865 = arith.muli %add3A_853, %mul3A_864 : i32
      %add3A_866 = arith.addi %mul3A_2, %mul3A_865 : i32
      %dma_start3A_867 = arith.constant 2 : i32
      %dma_start3A_868 = arith.constant 0 : i32
      %dma_start3A_869 = arith.constant 0 : i32
      %dma_start3A_870 = tpu.memref_slice %arg6[%dma_start3A_867, %dma_start3A_868, %dma_start3A_869] : memref<7x128x128xf32, #tpu.memory_space<vmem>> -> memref<1x128x128xf32, #tpu.memory_space<vmem>>
      %dma_start3A_871 = tpu.memref_squeeze %dma_start3A_870 : memref<1x128x128xf32, #tpu.memory_space<vmem>> -> memref<128x128xf32, #tpu.memory_space<vmem>>
      %dma_start3A_872 = arith.constant 0 : i32
      %dma_start3A_873 = tpu.memref_slice %arg4[%add3A_866, %dma_start3A_872] : memref<204800x128xf32, #tpu.memory_space<hbm>> -> memref<128x128xf32, #tpu.memory_space<hbm>>
      %dma_start3A_874 = arith.constant 0 : i32
      %dma_start3A_875 = tpu.memref_slice %arg4[%add3A_866, %dma_start3A_874] : memref<204800x128xf32, #tpu.memory_space<hbm>> -> memref<128x128xf32, #tpu.memory_space<hbm>>
      %dma_start3A_876 = arith.constant 0 : i32
      %dma_start3A_877 = arith.constant 0 : i32
      %dma_start3A_878 = tpu.memref_slice %arg6[%dma_start3A_867, %dma_start3A_876, %dma_start3A_877] : memref<7x128x128xf32, #tpu.memory_space<vmem>> -> memref<1x128x128xf32, #tpu.memory_space<vmem>>
      %dma_start3A_879 = tpu.memref_squeeze %dma_start3A_878 : memref<1x128x128xf32, #tpu.memory_space<vmem>> -> memref<128x128xf32, #tpu.memory_space<vmem>>
      tpu.enqueue_dma source(%dma_start3A_879 : memref<128x128xf32, #tpu.memory_space<vmem>>) target(%dma_start3A_875 : memref<128x128xf32, #tpu.memory_space<hbm>>) target_semaphore(%arg8 : memref<!tpu.dma_semaphore, #tpu.memory_space<semaphore_mem>>)
      %dma_wait3A_880 = arith.constant 6 : i32
      %dma_wait3A_881 = arith.constant 0 : i32
      %dma_wait3A_882 = arith.constant 0 : i32
      %dma_wait3A_883 = tpu.memref_slice %arg6[%dma_wait3A_880, %dma_wait3A_881, %dma_wait3A_882] : memref<7x128x128xf32, #tpu.memory_space<vmem>> -> memref<1x128x128xf32, #tpu.memory_space<vmem>>
      %dma_wait3A_884 = tpu.memref_squeeze %dma_wait3A_883 : memref<1x128x128xf32, #tpu.memory_space<vmem>> -> memref<128x128xf32, #tpu.memory_space<vmem>>
      %dma_wait3A_885 = arith.constant 0 : i32
      %dma_wait3A_886 = tpu.memref_slice %arg4[%mul3A_2, %dma_wait3A_885] : memref<204800x128xf32, #tpu.memory_space<hbm>> -> memref<128x128xf32, #tpu.memory_space<hbm>>
      %dma_wait3A_887 = arith.constant 0 : i32
      %dma_wait3A_888 = tpu.memref_slice %arg4[%mul3A_2, %dma_wait3A_887] : memref<204800x128xf32, #tpu.memory_space<hbm>> -> memref<128x128xf32, #tpu.memory_space<hbm>>
      %dma_wait3A_889 = arith.constant 0 : i32
      %dma_wait3A_890 = arith.constant 0 : i32
      %dma_wait3A_891 = tpu.memref_slice %arg6[%dma_wait3A_880, %dma_wait3A_889, %dma_wait3A_890] : memref<7x128x128xf32, #tpu.memory_space<vmem>> -> memref<1x128x128xf32, #tpu.memory_space<vmem>>
      %dma_wait3A_892 = tpu.memref_squeeze %dma_wait3A_891 : memref<1x128x128xf32, #tpu.memory_space<vmem>> -> memref<128x128xf32, #tpu.memory_space<vmem>>
      tpu.wait_dma2 semaphore(%arg8 : memref<!tpu.dma_semaphore, #tpu.memory_space<semaphore_mem>>) src(%dma_wait3A_892 : memref<128x128xf32, #tpu.memory_space<vmem>>) dst(%dma_wait3A_888 : memref<128x128xf32, #tpu.memory_space<hbm>>)
      %add3A_893 = arith.constant 4 : i32
      %add3A_894 = arith.addi %add3A_853, %add3A_893 : i32
      %mul3A_895 = arith.constant 128 : i32
      %mul3A_896 = arith.muli %add3A_894, %mul3A_895 : i32
      %dma_start3A_897 = arith.constant 6 : i32
      %dma_start3A_898 = arith.constant 0 : i32
      %dma_start3A_899 = arith.constant 0 : i32
      %dma_start3A_900 = tpu.memref_slice %arg6[%dma_start3A_897, %dma_start3A_898, %dma_start3A_899] : memref<7x128x128xf32, #tpu.memory_space<vmem>> -> memref<1x128x128xf32, #tpu.memory_space<vmem>>
      %dma_start3A_901 = tpu.memref_squeeze %dma_start3A_900 : memref<1x128x128xf32, #tpu.memory_space<vmem>> -> memref<128x128xf32, #tpu.memory_space<vmem>>
      %dma_start3A_902 = tpu.memref_slice %arg5[%mul3A_896] : memref<6400xi32, #tpu.memory_space<vmem>> -> memref<128xi32, #tpu.memory_space<vmem>>
      %dma_start3A_903 = arith.constant 0 : i32
      %dma_start3A_904 = arith.constant 0 : i32
      %dma_start3A_905 = tpu.memref_slice %arg3[%dma_start3A_903, %dma_start3A_904] : memref<100000x128xf32, #tpu.memory_space<hbm>> -> memref<100000x128xf32, #tpu.memory_space<hbm>>
      tpu.enqueue_indirect_dma source(%dma_start3A_905 : memref<100000x128xf32, #tpu.memory_space<hbm>>) target(%dma_start3A_901 : memref<128x128xf32, #tpu.memory_space<vmem>>) offsets(%dma_start3A_902 : memref<128xi32, #tpu.memory_space<vmem>>) semaphore(%arg7 : memref<!tpu.dma_semaphore, #tpu.memory_space<semaphore_mem>>)
      %add3A_906 = arith.constant 3 : i32
      %add3A_907 = arith.addi %add3A_743, %add3A_906 : i32
      %dma_wait3A_908 = arith.constant 3 : i32
      %dma_wait3A_909 = arith.constant 0 : i32
      %dma_wait3A_910 = arith.constant 0 : i32
      %dma_wait3A_911 = tpu.memref_slice %arg6[%dma_wait3A_908, %dma_wait3A_909, %dma_wait3A_910] : memref<7x128x128xf32, #tpu.memory_space<vmem>> -> memref<1x128x128xf32, #tpu.memory_space<vmem>>
      %dma_wait3A_912 = tpu.memref_squeeze %dma_wait3A_911 : memref<1x128x128xf32, #tpu.memory_space<vmem>> -> memref<128x128xf32, #tpu.memory_space<vmem>>
      %dma_wait3A_913 = arith.constant 0 : i32
      %dma_wait3A_914 = tpu.memref_slice %arg5[%dma_wait3A_913] : memref<6400xi32, #tpu.memory_space<vmem>> -> memref<128xi32, #tpu.memory_space<vmem>>
      %dma_wait3A_915 = arith.constant 0 : i32
      %dma_wait3A_916 = arith.constant 0 : i32
      %dma_wait3A_917 = tpu.memref_slice %arg3[%dma_wait3A_915, %dma_wait3A_916] : memref<100000x128xf32, #tpu.memory_space<hbm>> -> memref<100000x128xf32, #tpu.memory_space<hbm>>
      tpu.wait_indirect_dma semaphore(%arg7 : memref<!tpu.dma_semaphore, #tpu.memory_space<semaphore_mem>>) src(%dma_wait3A_917 : memref<100000x128xf32, #tpu.memory_space<hbm>>) dst(%dma_wait3A_912 : memref<128x128xf32, #tpu.memory_space<vmem>>)
      %mul3A_918 = arith.constant 128 : i32
      %mul3A_919 = arith.muli %add3A_907, %mul3A_918 : i32
      %add3A_920 = arith.addi %mul3A_2, %mul3A_919 : i32
      %dma_start3A_921 = arith.constant 3 : i32
      %dma_start3A_922 = arith.constant 0 : i32
      %dma_start3A_923 = arith.constant 0 : i32
      %dma_start3A_924 = tpu.memref_slice %arg6[%dma_start3A_921, %dma_start3A_922, %dma_start3A_923] : memref<7x128x128xf32, #tpu.memory_space<vmem>> -> memref<1x128x128xf32, #tpu.memory_space<vmem>>
      %dma_start3A_925 = tpu.memref_squeeze %dma_start3A_924 : memref<1x128x128xf32, #tpu.memory_space<vmem>> -> memref<128x128xf32, #tpu.memory_space<vmem>>
      %dma_start3A_926 = arith.constant 0 : i32
      %dma_start3A_927 = tpu.memref_slice %arg4[%add3A_920, %dma_start3A_926] : memref<204800x128xf32, #tpu.memory_space<hbm>> -> memref<128x128xf32, #tpu.memory_space<hbm>>
      %dma_start3A_928 = arith.constant 0 : i32
      %dma_start3A_929 = tpu.memref_slice %arg4[%add3A_920, %dma_start3A_928] : memref<204800x128xf32, #tpu.memory_space<hbm>> -> memref<128x128xf32, #tpu.memory_space<hbm>>
      %dma_start3A_930 = arith.constant 0 : i32
      %dma_start3A_931 = arith.constant 0 : i32
      %dma_start3A_932 = tpu.memref_slice %arg6[%dma_start3A_921, %dma_start3A_930, %dma_start3A_931] : memref<7x128x128xf32, #tpu.memory_space<vmem>> -> memref<1x128x128xf32, #tpu.memory_space<vmem>>
      %dma_start3A_933 = tpu.memref_squeeze %dma_start3A_932 : memref<1x128x128xf32, #tpu.memory_space<vmem>> -> memref<128x128xf32, #tpu.memory_space<vmem>>
      tpu.enqueue_dma source(%dma_start3A_933 : memref<128x128xf32, #tpu.memory_space<vmem>>) target(%dma_start3A_929 : memref<128x128xf32, #tpu.memory_space<hbm>>) target_semaphore(%arg8 : memref<!tpu.dma_semaphore, #tpu.memory_space<semaphore_mem>>)
      %dma_wait3A_934 = arith.constant 0 : i32
      %dma_wait3A_935 = arith.constant 0 : i32
      %dma_wait3A_936 = arith.constant 0 : i32
      %dma_wait3A_937 = tpu.memref_slice %arg6[%dma_wait3A_934, %dma_wait3A_935, %dma_wait3A_936] : memref<7x128x128xf32, #tpu.memory_space<vmem>> -> memref<1x128x128xf32, #tpu.memory_space<vmem>>
      %dma_wait3A_938 = tpu.memref_squeeze %dma_wait3A_937 : memref<1x128x128xf32, #tpu.memory_space<vmem>> -> memref<128x128xf32, #tpu.memory_space<vmem>>
      %dma_wait3A_939 = arith.constant 0 : i32
      %dma_wait3A_940 = tpu.memref_slice %arg4[%mul3A_2, %dma_wait3A_939] : memref<204800x128xf32, #tpu.memory_space<hbm>> -> memref<128x128xf32, #tpu.memory_space<hbm>>
      %dma_wait3A_941 = arith.constant 0 : i32
      %dma_wait3A_942 = tpu.memref_slice %arg4[%mul3A_2, %dma_wait3A_941] : memref<204800x128xf32, #tpu.memory_space<hbm>> -> memref<128x128xf32, #tpu.memory_space<hbm>>
      %dma_wait3A_943 = arith.constant 0 : i32
      %dma_wait3A_944 = arith.constant 0 : i32
      %dma_wait3A_945 = tpu.memref_slice %arg6[%dma_wait3A_934, %dma_wait3A_943, %dma_wait3A_944] : memref<7x128x128xf32, #tpu.memory_space<vmem>> -> memref<1x128x128xf32, #tpu.memory_space<vmem>>
      %dma_wait3A_946 = tpu.memref_squeeze %dma_wait3A_945 : memref<1x128x128xf32, #tpu.memory_space<vmem>> -> memref<128x128xf32, #tpu.memory_space<vmem>>
      tpu.wait_dma2 semaphore(%arg8 : memref<!tpu.dma_semaphore, #tpu.memory_space<semaphore_mem>>) src(%dma_wait3A_946 : memref<128x128xf32, #tpu.memory_space<vmem>>) dst(%dma_wait3A_942 : memref<128x128xf32, #tpu.memory_space<hbm>>)
      %add3A_947 = arith.constant 4 : i32
      %add3A_948 = arith.addi %add3A_907, %add3A_947 : i32
      %mul3A_949 = arith.constant 128 : i32
      %mul3A_950 = arith.muli %add3A_948, %mul3A_949 : i32
      %dma_start3A_951 = arith.constant 0 : i32
      %dma_start3A_952 = arith.constant 0 : i32
      %dma_start3A_953 = arith.constant 0 : i32
      %dma_start3A_954 = tpu.memref_slice %arg6[%dma_start3A_951, %dma_start3A_952, %dma_start3A_953] : memref<7x128x128xf32, #tpu.memory_space<vmem>> -> memref<1x128x128xf32, #tpu.memory_space<vmem>>
      %dma_start3A_955 = tpu.memref_squeeze %dma_start3A_954 : memref<1x128x128xf32, #tpu.memory_space<vmem>> -> memref<128x128xf32, #tpu.memory_space<vmem>>
      %dma_start3A_956 = tpu.memref_slice %arg5[%mul3A_950] : memref<6400xi32, #tpu.memory_space<vmem>> -> memref<128xi32, #tpu.memory_space<vmem>>
      %dma_start3A_957 = arith.constant 0 : i32
      %dma_start3A_958 = arith.constant 0 : i32
      %dma_start3A_959 = tpu.memref_slice %arg3[%dma_start3A_957, %dma_start3A_958] : memref<100000x128xf32, #tpu.memory_space<hbm>> -> memref<100000x128xf32, #tpu.memory_space<hbm>>
      tpu.enqueue_indirect_dma source(%dma_start3A_959 : memref<100000x128xf32, #tpu.memory_space<hbm>>) target(%dma_start3A_955 : memref<128x128xf32, #tpu.memory_space<vmem>>) offsets(%dma_start3A_956 : memref<128xi32, #tpu.memory_space<vmem>>) semaphore(%arg7 : memref<!tpu.dma_semaphore, #tpu.memory_space<semaphore_mem>>)
      %add3A_960 = arith.constant 4 : i32
      %add3A_961 = arith.addi %add3A_743, %add3A_960 : i32
      %dma_wait3A_962 = arith.constant 4 : i32
      %dma_wait3A_963 = arith.constant 0 : i32
      %dma_wait3A_964 = arith.constant 0 : i32
      %dma_wait3A_965 = tpu.memref_slice %arg6[%dma_wait3A_962, %dma_wait3A_963, %dma_wait3A_964] : memref<7x128x128xf32, #tpu.memory_space<vmem>> -> memref<1x128x128xf32, #tpu.memory_space<vmem>>
      %dma_wait3A_966 = tpu.memref_squeeze %dma_wait3A_965 : memref<1x128x128xf32, #tpu.memory_space<vmem>> -> memref<128x128xf32, #tpu.memory_space<vmem>>
      %dma_wait3A_967 = arith.constant 0 : i32
      %dma_wait3A_968 = tpu.memref_slice %arg5[%dma_wait3A_967] : memref<6400xi32, #tpu.memory_space<vmem>> -> memref<128xi32, #tpu.memory_space<vmem>>
      %dma_wait3A_969 = arith.constant 0 : i32
      %dma_wait3A_970 = arith.constant 0 : i32
      %dma_wait3A_971 = tpu.memref_slice %arg3[%dma_wait3A_969, %dma_wait3A_970] : memref<100000x128xf32, #tpu.memory_space<hbm>> -> memref<100000x128xf32, #tpu.memory_space<hbm>>
      tpu.wait_indirect_dma semaphore(%arg7 : memref<!tpu.dma_semaphore, #tpu.memory_space<semaphore_mem>>) src(%dma_wait3A_971 : memref<100000x128xf32, #tpu.memory_space<hbm>>) dst(%dma_wait3A_966 : memref<128x128xf32, #tpu.memory_space<vmem>>)
      %mul3A_972 = arith.constant 128 : i32
      %mul3A_973 = arith.muli %add3A_961, %mul3A_972 : i32
      %add3A_974 = arith.addi %mul3A_2, %mul3A_973 : i32
      %dma_start3A_975 = arith.constant 4 : i32
      %dma_start3A_976 = arith.constant 0 : i32
      %dma_start3A_977 = arith.constant 0 : i32
      %dma_start3A_978 = tpu.memref_slice %arg6[%dma_start3A_975, %dma_start3A_976, %dma_start3A_977] : memref<7x128x128xf32, #tpu.memory_space<vmem>> -> memref<1x128x128xf32, #tpu.memory_space<vmem>>
      %dma_start3A_979 = tpu.memref_squeeze %dma_start3A_978 : memref<1x128x128xf32, #tpu.memory_space<vmem>> -> memref<128x128xf32, #tpu.memory_space<vmem>>
      %dma_start3A_980 = arith.constant 0 : i32
      %dma_start3A_981 = tpu.memref_slice %arg4[%add3A_974, %dma_start3A_980] : memref<204800x128xf32, #tpu.memory_space<hbm>> -> memref<128x128xf32, #tpu.memory_space<hbm>>
      %dma_start3A_982 = arith.constant 0 : i32
      %dma_start3A_983 = tpu.memref_slice %arg4[%add3A_974, %dma_start3A_982] : memref<204800x128xf32, #tpu.memory_space<hbm>> -> memref<128x128xf32, #tpu.memory_space<hbm>>
      %dma_start3A_984 = arith.constant 0 : i32
      %dma_start3A_985 = arith.constant 0 : i32
      %dma_start3A_986 = tpu.memref_slice %arg6[%dma_start3A_975, %dma_start3A_984, %dma_start3A_985] : memref<7x128x128xf32, #tpu.memory_space<vmem>> -> memref<1x128x128xf32, #tpu.memory_space<vmem>>
      %dma_start3A_987 = tpu.memref_squeeze %dma_start3A_986 : memref<1x128x128xf32, #tpu.memory_space<vmem>> -> memref<128x128xf32, #tpu.memory_space<vmem>>
      tpu.enqueue_dma source(%dma_start3A_987 : memref<128x128xf32, #tpu.memory_space<vmem>>) target(%dma_start3A_983 : memref<128x128xf32, #tpu.memory_space<hbm>>) target_semaphore(%arg8 : memref<!tpu.dma_semaphore, #tpu.memory_space<semaphore_mem>>)
      %dma_wait3A_988 = arith.constant 1 : i32
      %dma_wait3A_989 = arith.constant 0 : i32
      %dma_wait3A_990 = arith.constant 0 : i32
      %dma_wait3A_991 = tpu.memref_slice %arg6[%dma_wait3A_988, %dma_wait3A_989, %dma_wait3A_990] : memref<7x128x128xf32, #tpu.memory_space<vmem>> -> memref<1x128x128xf32, #tpu.memory_space<vmem>>
      %dma_wait3A_992 = tpu.memref_squeeze %dma_wait3A_991 : memref<1x128x128xf32, #tpu.memory_space<vmem>> -> memref<128x128xf32, #tpu.memory_space<vmem>>
      %dma_wait3A_993 = arith.constant 0 : i32
      %dma_wait3A_994 = tpu.memref_slice %arg4[%mul3A_2, %dma_wait3A_993] : memref<204800x128xf32, #tpu.memory_space<hbm>> -> memref<128x128xf32, #tpu.memory_space<hbm>>
      %dma_wait3A_995 = arith.constant 0 : i32
      %dma_wait3A_996 = tpu.memref_slice %arg4[%mul3A_2, %dma_wait3A_995] : memref<204800x128xf32, #tpu.memory_space<hbm>> -> memref<128x128xf32, #tpu.memory_space<hbm>>
      %dma_wait3A_997 = arith.constant 0 : i32
      %dma_wait3A_998 = arith.constant 0 : i32
      %dma_wait3A_999 = tpu.memref_slice %arg6[%dma_wait3A_988, %dma_wait3A_997, %dma_wait3A_998] : memref<7x128x128xf32, #tpu.memory_space<vmem>> -> memref<1x128x128xf32, #tpu.memory_space<vmem>>
      %dma_wait3A_1000 = tpu.memref_squeeze %dma_wait3A_999 : memref<1x128x128xf32, #tpu.memory_space<vmem>> -> memref<128x128xf32, #tpu.memory_space<vmem>>
      tpu.wait_dma2 semaphore(%arg8 : memref<!tpu.dma_semaphore, #tpu.memory_space<semaphore_mem>>) src(%dma_wait3A_1000 : memref<128x128xf32, #tpu.memory_space<vmem>>) dst(%dma_wait3A_996 : memref<128x128xf32, #tpu.memory_space<hbm>>)
      %add3A_1001 = arith.constant 4 : i32
      %add3A_1002 = arith.addi %add3A_961, %add3A_1001 : i32
      %mul3A_1003 = arith.constant 128 : i32
      %mul3A_1004 = arith.muli %add3A_1002, %mul3A_1003 : i32
      %dma_start3A_1005 = arith.constant 1 : i32
      %dma_start3A_1006 = arith.constant 0 : i32
      %dma_start3A_1007 = arith.constant 0 : i32
      %dma_start3A_1008 = tpu.memref_slice %arg6[%dma_start3A_1005, %dma_start3A_1006, %dma_start3A_1007] : memref<7x128x128xf32, #tpu.memory_space<vmem>> -> memref<1x128x128xf32, #tpu.memory_space<vmem>>
      %dma_start3A_1009 = tpu.memref_squeeze %dma_start3A_1008 : memref<1x128x128xf32, #tpu.memory_space<vmem>> -> memref<128x128xf32, #tpu.memory_space<vmem>>
      %dma_start3A_1010 = tpu.memref_slice %arg5[%mul3A_1004] : memref<6400xi32, #tpu.memory_space<vmem>> -> memref<128xi32, #tpu.memory_space<vmem>>
      %dma_start3A_1011 = arith.constant 0 : i32
      %dma_start3A_1012 = arith.constant 0 : i32
      %dma_start3A_1013 = tpu.memref_slice %arg3[%dma_start3A_1011, %dma_start3A_1012] : memref<100000x128xf32, #tpu.memory_space<hbm>> -> memref<100000x128xf32, #tpu.memory_space<hbm>>
      tpu.enqueue_indirect_dma source(%dma_start3A_1013 : memref<100000x128xf32, #tpu.memory_space<hbm>>) target(%dma_start3A_1009 : memref<128x128xf32, #tpu.memory_space<vmem>>) offsets(%dma_start3A_1010 : memref<128xi32, #tpu.memory_space<vmem>>) semaphore(%arg7 : memref<!tpu.dma_semaphore, #tpu.memory_space<semaphore_mem>>)
      %add3A_1014 = arith.constant 5 : i32
      %add3A_1015 = arith.addi %add3A_743, %add3A_1014 : i32
      %dma_wait3A_1016 = arith.constant 5 : i32
      %dma_wait3A_1017 = arith.constant 0 : i32
      %dma_wait3A_1018 = arith.constant 0 : i32
      %dma_wait3A_1019 = tpu.memref_slice %arg6[%dma_wait3A_1016, %dma_wait3A_1017, %dma_wait3A_1018] : memref<7x128x128xf32, #tpu.memory_space<vmem>> -> memref<1x128x128xf32, #tpu.memory_space<vmem>>
      %dma_wait3A_1020 = tpu.memref_squeeze %dma_wait3A_1019 : memref<1x128x128xf32, #tpu.memory_space<vmem>> -> memref<128x128xf32, #tpu.memory_space<vmem>>
      %dma_wait3A_1021 = arith.constant 0 : i32
      %dma_wait3A_1022 = tpu.memref_slice %arg5[%dma_wait3A_1021] : memref<6400xi32, #tpu.memory_space<vmem>> -> memref<128xi32, #tpu.memory_space<vmem>>
      %dma_wait3A_1023 = arith.constant 0 : i32
      %dma_wait3A_1024 = arith.constant 0 : i32
      %dma_wait3A_1025 = tpu.memref_slice %arg3[%dma_wait3A_1023, %dma_wait3A_1024] : memref<100000x128xf32, #tpu.memory_space<hbm>> -> memref<100000x128xf32, #tpu.memory_space<hbm>>
      tpu.wait_indirect_dma semaphore(%arg7 : memref<!tpu.dma_semaphore, #tpu.memory_space<semaphore_mem>>) src(%dma_wait3A_1025 : memref<100000x128xf32, #tpu.memory_space<hbm>>) dst(%dma_wait3A_1020 : memref<128x128xf32, #tpu.memory_space<vmem>>)
      %mul3A_1026 = arith.constant 128 : i32
      %mul3A_1027 = arith.muli %add3A_1015, %mul3A_1026 : i32
      %add3A_1028 = arith.addi %mul3A_2, %mul3A_1027 : i32
      %dma_start3A_1029 = arith.constant 5 : i32
      %dma_start3A_1030 = arith.constant 0 : i32
      %dma_start3A_1031 = arith.constant 0 : i32
      %dma_start3A_1032 = tpu.memref_slice %arg6[%dma_start3A_1029, %dma_start3A_1030, %dma_start3A_1031] : memref<7x128x128xf32, #tpu.memory_space<vmem>> -> memref<1x128x128xf32, #tpu.memory_space<vmem>>
      %dma_start3A_1033 = tpu.memref_squeeze %dma_start3A_1032 : memref<1x128x128xf32, #tpu.memory_space<vmem>> -> memref<128x128xf32, #tpu.memory_space<vmem>>
      %dma_start3A_1034 = arith.constant 0 : i32
      %dma_start3A_1035 = tpu.memref_slice %arg4[%add3A_1028, %dma_start3A_1034] : memref<204800x128xf32, #tpu.memory_space<hbm>> -> memref<128x128xf32, #tpu.memory_space<hbm>>
      %dma_start3A_1036 = arith.constant 0 : i32
      %dma_start3A_1037 = tpu.memref_slice %arg4[%add3A_1028, %dma_start3A_1036] : memref<204800x128xf32, #tpu.memory_space<hbm>> -> memref<128x128xf32, #tpu.memory_space<hbm>>
      %dma_start3A_1038 = arith.constant 0 : i32
      %dma_start3A_1039 = arith.constant 0 : i32
      %dma_start3A_1040 = tpu.memref_slice %arg6[%dma_start3A_1029, %dma_start3A_1038, %dma_start3A_1039] : memref<7x128x128xf32, #tpu.memory_space<vmem>> -> memref<1x128x128xf32, #tpu.memory_space<vmem>>
      %dma_start3A_1041 = tpu.memref_squeeze %dma_start3A_1040 : memref<1x128x128xf32, #tpu.memory_space<vmem>> -> memref<128x128xf32, #tpu.memory_space<vmem>>
      tpu.enqueue_dma source(%dma_start3A_1041 : memref<128x128xf32, #tpu.memory_space<vmem>>) target(%dma_start3A_1037 : memref<128x128xf32, #tpu.memory_space<hbm>>) target_semaphore(%arg8 : memref<!tpu.dma_semaphore, #tpu.memory_space<semaphore_mem>>)
      %dma_wait3A_1042 = arith.constant 2 : i32
      %dma_wait3A_1043 = arith.constant 0 : i32
      %dma_wait3A_1044 = arith.constant 0 : i32
      %dma_wait3A_1045 = tpu.memref_slice %arg6[%dma_wait3A_1042, %dma_wait3A_1043, %dma_wait3A_1044] : memref<7x128x128xf32, #tpu.memory_space<vmem>> -> memref<1x128x128xf32, #tpu.memory_space<vmem>>
      %dma_wait3A_1046 = tpu.memref_squeeze %dma_wait3A_1045 : memref<1x128x128xf32, #tpu.memory_space<vmem>> -> memref<128x128xf32, #tpu.memory_space<vmem>>
      %dma_wait3A_1047 = arith.constant 0 : i32
      %dma_wait3A_1048 = tpu.memref_slice %arg4[%mul3A_2, %dma_wait3A_1047] : memref<204800x128xf32, #tpu.memory_space<hbm>> -> memref<128x128xf32, #tpu.memory_space<hbm>>
      %dma_wait3A_1049 = arith.constant 0 : i32
      %dma_wait3A_1050 = tpu.memref_slice %arg4[%mul3A_2, %dma_wait3A_1049] : memref<204800x128xf32, #tpu.memory_space<hbm>> -> memref<128x128xf32, #tpu.memory_space<hbm>>
      %dma_wait3A_1051 = arith.constant 0 : i32
      %dma_wait3A_1052 = arith.constant 0 : i32
      %dma_wait3A_1053 = tpu.memref_slice %arg6[%dma_wait3A_1042, %dma_wait3A_1051, %dma_wait3A_1052] : memref<7x128x128xf32, #tpu.memory_space<vmem>> -> memref<1x128x128xf32, #tpu.memory_space<vmem>>
      %dma_wait3A_1054 = tpu.memref_squeeze %dma_wait3A_1053 : memref<1x128x128xf32, #tpu.memory_space<vmem>> -> memref<128x128xf32, #tpu.memory_space<vmem>>
      tpu.wait_dma2 semaphore(%arg8 : memref<!tpu.dma_semaphore, #tpu.memory_space<semaphore_mem>>) src(%dma_wait3A_1054 : memref<128x128xf32, #tpu.memory_space<vmem>>) dst(%dma_wait3A_1050 : memref<128x128xf32, #tpu.memory_space<hbm>>)
      %add3A_1055 = arith.constant 4 : i32
      %add3A_1056 = arith.addi %add3A_1015, %add3A_1055 : i32
      %mul3A_1057 = arith.constant 128 : i32
      %mul3A_1058 = arith.muli %add3A_1056, %mul3A_1057 : i32
      %dma_start3A_1059 = arith.constant 2 : i32
      %dma_start3A_1060 = arith.constant 0 : i32
      %dma_start3A_1061 = arith.constant 0 : i32
      %dma_start3A_1062 = tpu.memref_slice %arg6[%dma_start3A_1059, %dma_start3A_1060, %dma_start3A_1061] : memref<7x128x128xf32, #tpu.memory_space<vmem>> -> memref<1x128x128xf32, #tpu.memory_space<vmem>>
      %dma_start3A_1063 = tpu.memref_squeeze %dma_start3A_1062 : memref<1x128x128xf32, #tpu.memory_space<vmem>> -> memref<128x128xf32, #tpu.memory_space<vmem>>
      %dma_start3A_1064 = tpu.memref_slice %arg5[%mul3A_1058] : memref<6400xi32, #tpu.memory_space<vmem>> -> memref<128xi32, #tpu.memory_space<vmem>>
      %dma_start3A_1065 = arith.constant 0 : i32
      %dma_start3A_1066 = arith.constant 0 : i32
      %dma_start3A_1067 = tpu.memref_slice %arg3[%dma_start3A_1065, %dma_start3A_1066] : memref<100000x128xf32, #tpu.memory_space<hbm>> -> memref<100000x128xf32, #tpu.memory_space<hbm>>
      tpu.enqueue_indirect_dma source(%dma_start3A_1067 : memref<100000x128xf32, #tpu.memory_space<hbm>>) target(%dma_start3A_1063 : memref<128x128xf32, #tpu.memory_space<vmem>>) offsets(%dma_start3A_1064 : memref<128xi32, #tpu.memory_space<vmem>>) semaphore(%arg7 : memref<!tpu.dma_semaphore, #tpu.memory_space<semaphore_mem>>)
      %add3A_1068 = arith.constant 6 : i32
      %add3A_1069 = arith.addi %add3A_743, %add3A_1068 : i32
      %dma_wait3A_1070 = arith.constant 6 : i32
      %dma_wait3A_1071 = arith.constant 0 : i32
      %dma_wait3A_1072 = arith.constant 0 : i32
      %dma_wait3A_1073 = tpu.memref_slice %arg6[%dma_wait3A_1070, %dma_wait3A_1071, %dma_wait3A_1072] : memref<7x128x128xf32, #tpu.memory_space<vmem>> -> memref<1x128x128xf32, #tpu.memory_space<vmem>>
      %dma_wait3A_1074 = tpu.memref_squeeze %dma_wait3A_1073 : memref<1x128x128xf32, #tpu.memory_space<vmem>> -> memref<128x128xf32, #tpu.memory_space<vmem>>
      %dma_wait3A_1075 = arith.constant 0 : i32
      %dma_wait3A_1076 = tpu.memref_slice %arg5[%dma_wait3A_1075] : memref<6400xi32, #tpu.memory_space<vmem>> -> memref<128xi32, #tpu.memory_space<vmem>>
      %dma_wait3A_1077 = arith.constant 0 : i32
      %dma_wait3A_1078 = arith.constant 0 : i32
      %dma_wait3A_1079 = tpu.memref_slice %arg3[%dma_wait3A_1077, %dma_wait3A_1078] : memref<100000x128xf32, #tpu.memory_space<hbm>> -> memref<100000x128xf32, #tpu.memory_space<hbm>>
      tpu.wait_indirect_dma semaphore(%arg7 : memref<!tpu.dma_semaphore, #tpu.memory_space<semaphore_mem>>) src(%dma_wait3A_1079 : memref<100000x128xf32, #tpu.memory_space<hbm>>) dst(%dma_wait3A_1074 : memref<128x128xf32, #tpu.memory_space<vmem>>)
      %mul3A_1080 = arith.constant 128 : i32
      %mul3A_1081 = arith.muli %add3A_1069, %mul3A_1080 : i32
      %add3A_1082 = arith.addi %mul3A_2, %mul3A_1081 : i32
      %dma_start3A_1083 = arith.constant 6 : i32
      %dma_start3A_1084 = arith.constant 0 : i32
      %dma_start3A_1085 = arith.constant 0 : i32
      %dma_start3A_1086 = tpu.memref_slice %arg6[%dma_start3A_1083, %dma_start3A_1084, %dma_start3A_1085] : memref<7x128x128xf32, #tpu.memory_space<vmem>> -> memref<1x128x128xf32, #tpu.memory_space<vmem>>
      %dma_start3A_1087 = tpu.memref_squeeze %dma_start3A_1086 : memref<1x128x128xf32, #tpu.memory_space<vmem>> -> memref<128x128xf32, #tpu.memory_space<vmem>>
      %dma_start3A_1088 = arith.constant 0 : i32
      %dma_start3A_1089 = tpu.memref_slice %arg4[%add3A_1082, %dma_start3A_1088] : memref<204800x128xf32, #tpu.memory_space<hbm>> -> memref<128x128xf32, #tpu.memory_space<hbm>>
      %dma_start3A_1090 = arith.constant 0 : i32
      %dma_start3A_1091 = tpu.memref_slice %arg4[%add3A_1082, %dma_start3A_1090] : memref<204800x128xf32, #tpu.memory_space<hbm>> -> memref<128x128xf32, #tpu.memory_space<hbm>>
      %dma_start3A_1092 = arith.constant 0 : i32
      %dma_start3A_1093 = arith.constant 0 : i32
      %dma_start3A_1094 = tpu.memref_slice %arg6[%dma_start3A_1083, %dma_start3A_1092, %dma_start3A_1093] : memref<7x128x128xf32, #tpu.memory_space<vmem>> -> memref<1x128x128xf32, #tpu.memory_space<vmem>>
      %dma_start3A_1095 = tpu.memref_squeeze %dma_start3A_1094 : memref<1x128x128xf32, #tpu.memory_space<vmem>> -> memref<128x128xf32, #tpu.memory_space<vmem>>
      tpu.enqueue_dma source(%dma_start3A_1095 : memref<128x128xf32, #tpu.memory_space<vmem>>) target(%dma_start3A_1091 : memref<128x128xf32, #tpu.memory_space<hbm>>) target_semaphore(%arg8 : memref<!tpu.dma_semaphore, #tpu.memory_space<semaphore_mem>>)
      %dma_wait3A_1096 = arith.constant 3 : i32
      %dma_wait3A_1097 = arith.constant 0 : i32
      %dma_wait3A_1098 = arith.constant 0 : i32
      %dma_wait3A_1099 = tpu.memref_slice %arg6[%dma_wait3A_1096, %dma_wait3A_1097, %dma_wait3A_1098] : memref<7x128x128xf32, #tpu.memory_space<vmem>> -> memref<1x128x128xf32, #tpu.memory_space<vmem>>
      %dma_wait3A_1100 = tpu.memref_squeeze %dma_wait3A_1099 : memref<1x128x128xf32, #tpu.memory_space<vmem>> -> memref<128x128xf32, #tpu.memory_space<vmem>>
      %dma_wait3A_1101 = arith.constant 0 : i32
      %dma_wait3A_1102 = tpu.memref_slice %arg4[%mul3A_2, %dma_wait3A_1101] : memref<204800x128xf32, #tpu.memory_space<hbm>> -> memref<128x128xf32, #tpu.memory_space<hbm>>
      %dma_wait3A_1103 = arith.constant 0 : i32
      %dma_wait3A_1104 = tpu.memref_slice %arg4[%mul3A_2, %dma_wait3A_1103] : memref<204800x128xf32, #tpu.memory_space<hbm>> -> memref<128x128xf32, #tpu.memory_space<hbm>>
      %dma_wait3A_1105 = arith.constant 0 : i32
      %dma_wait3A_1106 = arith.constant 0 : i32
      %dma_wait3A_1107 = tpu.memref_slice %arg6[%dma_wait3A_1096, %dma_wait3A_1105, %dma_wait3A_1106] : memref<7x128x128xf32, #tpu.memory_space<vmem>> -> memref<1x128x128xf32, #tpu.memory_space<vmem>>
      %dma_wait3A_1108 = tpu.memref_squeeze %dma_wait3A_1107 : memref<1x128x128xf32, #tpu.memory_space<vmem>> -> memref<128x128xf32, #tpu.memory_space<vmem>>
      tpu.wait_dma2 semaphore(%arg8 : memref<!tpu.dma_semaphore, #tpu.memory_space<semaphore_mem>>) src(%dma_wait3A_1108 : memref<128x128xf32, #tpu.memory_space<vmem>>) dst(%dma_wait3A_1104 : memref<128x128xf32, #tpu.memory_space<hbm>>)
      %add3A_1109 = arith.constant 4 : i32
      %add3A_1110 = arith.addi %add3A_1069, %add3A_1109 : i32
      %mul3A_1111 = arith.constant 128 : i32
      %mul3A_1112 = arith.muli %add3A_1110, %mul3A_1111 : i32
      %dma_start3A_1113 = arith.constant 3 : i32
      %dma_start3A_1114 = arith.constant 0 : i32
      %dma_start3A_1115 = arith.constant 0 : i32
      %dma_start3A_1116 = tpu.memref_slice %arg6[%dma_start3A_1113, %dma_start3A_1114, %dma_start3A_1115] : memref<7x128x128xf32, #tpu.memory_space<vmem>> -> memref<1x128x128xf32, #tpu.memory_space<vmem>>
      %dma_start3A_1117 = tpu.memref_squeeze %dma_start3A_1116 : memref<1x128x128xf32, #tpu.memory_space<vmem>> -> memref<128x128xf32, #tpu.memory_space<vmem>>
      %dma_start3A_1118 = tpu.memref_slice %arg5[%mul3A_1112] : memref<6400xi32, #tpu.memory_space<vmem>> -> memref<128xi32, #tpu.memory_space<vmem>>
      %dma_start3A_1119 = arith.constant 0 : i32
      %dma_start3A_1120 = arith.constant 0 : i32
      %dma_start3A_1121 = tpu.memref_slice %arg3[%dma_start3A_1119, %dma_start3A_1120] : memref<100000x128xf32, #tpu.memory_space<hbm>> -> memref<100000x128xf32, #tpu.memory_space<hbm>>
      tpu.enqueue_indirect_dma source(%dma_start3A_1121 : memref<100000x128xf32, #tpu.memory_space<hbm>>) target(%dma_start3A_1117 : memref<128x128xf32, #tpu.memory_space<vmem>>) offsets(%dma_start3A_1118 : memref<128xi32, #tpu.memory_space<vmem>>) semaphore(%arg7 : memref<!tpu.dma_semaphore, #tpu.memory_space<semaphore_mem>>)
    }
    %scan3A_355 = arith.constant 5 : i32
    %dma_wait3A_356 = arith.constant 0 : i32
    %dma_wait3A_357 = arith.constant 0 : i32
    %dma_wait3A_358 = arith.constant 0 : i32
    %dma_wait3A_359 = tpu.memref_slice %arg6[%dma_wait3A_356, %dma_wait3A_357, %dma_wait3A_358] : memref<7x128x128xf32, #tpu.memory_space<vmem>> -> memref<1x128x128xf32, #tpu.memory_space<vmem>>
    %dma_wait3A_360 = tpu.memref_squeeze %dma_wait3A_359 : memref<1x128x128xf32, #tpu.memory_space<vmem>> -> memref<128x128xf32, #tpu.memory_space<vmem>>
    %dma_wait3A_361 = arith.constant 0 : i32
    %dma_wait3A_362 = tpu.memref_slice %arg5[%dma_wait3A_361] : memref<6400xi32, #tpu.memory_space<vmem>> -> memref<128xi32, #tpu.memory_space<vmem>>
    %dma_wait3A_363 = arith.constant 0 : i32
    %dma_wait3A_364 = arith.constant 0 : i32
    %dma_wait3A_365 = tpu.memref_slice %arg3[%dma_wait3A_363, %dma_wait3A_364] : memref<100000x128xf32, #tpu.memory_space<hbm>> -> memref<100000x128xf32, #tpu.memory_space<hbm>>
    tpu.wait_indirect_dma semaphore(%arg7 : memref<!tpu.dma_semaphore, #tpu.memory_space<semaphore_mem>>) src(%dma_wait3A_365 : memref<100000x128xf32, #tpu.memory_space<hbm>>) dst(%dma_wait3A_360 : memref<128x128xf32, #tpu.memory_space<vmem>>)
    %add3A_366 = arith.constant 5376 : i32
    %add3A_367 = arith.addi %mul3A_2, %add3A_366 : i32
    %dma_start3A_368 = arith.constant 0 : i32
    %dma_start3A_369 = arith.constant 0 : i32
    %dma_start3A_370 = arith.constant 0 : i32
    %dma_start3A_371 = tpu.memref_slice %arg6[%dma_start3A_368, %dma_start3A_369, %dma_start3A_370] : memref<7x128x128xf32, #tpu.memory_space<vmem>> -> memref<1x128x128xf32, #tpu.memory_space<vmem>>
    %dma_start3A_372 = tpu.memref_squeeze %dma_start3A_371 : memref<1x128x128xf32, #tpu.memory_space<vmem>> -> memref<128x128xf32, #tpu.memory_space<vmem>>
    %dma_start3A_373 = arith.constant 0 : i32
    %dma_start3A_374 = tpu.memref_slice %arg4[%add3A_367, %dma_start3A_373] : memref<204800x128xf32, #tpu.memory_space<hbm>> -> memref<128x128xf32, #tpu.memory_space<hbm>>
    %dma_start3A_375 = arith.constant 0 : i32
    %dma_start3A_376 = tpu.memref_slice %arg4[%add3A_367, %dma_start3A_375] : memref<204800x128xf32, #tpu.memory_space<hbm>> -> memref<128x128xf32, #tpu.memory_space<hbm>>
    %dma_start3A_377 = arith.constant 0 : i32
    %dma_start3A_378 = arith.constant 0 : i32
    %dma_start3A_379 = tpu.memref_slice %arg6[%dma_start3A_368, %dma_start3A_377, %dma_start3A_378] : memref<7x128x128xf32, #tpu.memory_space<vmem>> -> memref<1x128x128xf32, #tpu.memory_space<vmem>>
    %dma_start3A_380 = tpu.memref_squeeze %dma_start3A_379 : memref<1x128x128xf32, #tpu.memory_space<vmem>> -> memref<128x128xf32, #tpu.memory_space<vmem>>
    tpu.enqueue_dma source(%dma_start3A_380 : memref<128x128xf32, #tpu.memory_space<vmem>>) target(%dma_start3A_376 : memref<128x128xf32, #tpu.memory_space<hbm>>) target_semaphore(%arg8 : memref<!tpu.dma_semaphore, #tpu.memory_space<semaphore_mem>>)
    %dma_wait3A_381 = arith.constant 4 : i32
    %dma_wait3A_382 = arith.constant 0 : i32
    %dma_wait3A_383 = arith.constant 0 : i32
    %dma_wait3A_384 = tpu.memref_slice %arg6[%dma_wait3A_381, %dma_wait3A_382, %dma_wait3A_383] : memref<7x128x128xf32, #tpu.memory_space<vmem>> -> memref<1x128x128xf32, #tpu.memory_space<vmem>>
    %dma_wait3A_385 = tpu.memref_squeeze %dma_wait3A_384 : memref<1x128x128xf32, #tpu.memory_space<vmem>> -> memref<128x128xf32, #tpu.memory_space<vmem>>
    %dma_wait3A_386 = arith.constant 0 : i32
    %dma_wait3A_387 = tpu.memref_slice %arg4[%mul3A_2, %dma_wait3A_386] : memref<204800x128xf32, #tpu.memory_space<hbm>> -> memref<128x128xf32, #tpu.memory_space<hbm>>
    %dma_wait3A_388 = arith.constant 0 : i32
    %dma_wait3A_389 = tpu.memref_slice %arg4[%mul3A_2, %dma_wait3A_388] : memref<204800x128xf32, #tpu.memory_space<hbm>> -> memref<128x128xf32, #tpu.memory_space<hbm>>
    %dma_wait3A_390 = arith.constant 0 : i32
    %dma_wait3A_391 = arith.constant 0 : i32
    %dma_wait3A_392 = tpu.memref_slice %arg6[%dma_wait3A_381, %dma_wait3A_390, %dma_wait3A_391] : memref<7x128x128xf32, #tpu.memory_space<vmem>> -> memref<1x128x128xf32, #tpu.memory_space<vmem>>
    %dma_wait3A_393 = tpu.memref_squeeze %dma_wait3A_392 : memref<1x128x128xf32, #tpu.memory_space<vmem>> -> memref<128x128xf32, #tpu.memory_space<vmem>>
    tpu.wait_dma2 semaphore(%arg8 : memref<!tpu.dma_semaphore, #tpu.memory_space<semaphore_mem>>) src(%dma_wait3A_393 : memref<128x128xf32, #tpu.memory_space<vmem>>) dst(%dma_wait3A_389 : memref<128x128xf32, #tpu.memory_space<hbm>>)
    %dma_start3A_394 = arith.constant 4 : i32
    %dma_start3A_395 = arith.constant 0 : i32
    %dma_start3A_396 = arith.constant 0 : i32
    %dma_start3A_397 = tpu.memref_slice %arg6[%dma_start3A_394, %dma_start3A_395, %dma_start3A_396] : memref<7x128x128xf32, #tpu.memory_space<vmem>> -> memref<1x128x128xf32, #tpu.memory_space<vmem>>
    %dma_start3A_398 = tpu.memref_squeeze %dma_start3A_397 : memref<1x128x128xf32, #tpu.memory_space<vmem>> -> memref<128x128xf32, #tpu.memory_space<vmem>>
    %dma_start3A_399 = arith.constant 5888 : i32
    %dma_start3A_400 = tpu.memref_slice %arg5[%dma_start3A_399] : memref<6400xi32, #tpu.memory_space<vmem>> -> memref<128xi32, #tpu.memory_space<vmem>>
    %dma_start3A_401 = arith.constant 0 : i32
    %dma_start3A_402 = arith.constant 0 : i32
    %dma_start3A_403 = tpu.memref_slice %arg3[%dma_start3A_401, %dma_start3A_402] : memref<100000x128xf32, #tpu.memory_space<hbm>> -> memref<100000x128xf32, #tpu.memory_space<hbm>>
    tpu.enqueue_indirect_dma source(%dma_start3A_403 : memref<100000x128xf32, #tpu.memory_space<hbm>>) target(%dma_start3A_398 : memref<128x128xf32, #tpu.memory_space<vmem>>) offsets(%dma_start3A_400 : memref<128xi32, #tpu.memory_space<vmem>>) semaphore(%arg7 : memref<!tpu.dma_semaphore, #tpu.memory_space<semaphore_mem>>)
    %dma_wait3A_404 = arith.constant 1 : i32
    %dma_wait3A_405 = arith.constant 0 : i32
    %dma_wait3A_406 = arith.constant 0 : i32
    %dma_wait3A_407 = tpu.memref_slice %arg6[%dma_wait3A_404, %dma_wait3A_405, %dma_wait3A_406] : memref<7x128x128xf32, #tpu.memory_space<vmem>> -> memref<1x128x128xf32, #tpu.memory_space<vmem>>
    %dma_wait3A_408 = tpu.memref_squeeze %dma_wait3A_407 : memref<1x128x128xf32, #tpu.memory_space<vmem>> -> memref<128x128xf32, #tpu.memory_space<vmem>>
    %dma_wait3A_409 = arith.constant 0 : i32
    %dma_wait3A_410 = tpu.memref_slice %arg5[%dma_wait3A_409] : memref<6400xi32, #tpu.memory_space<vmem>> -> memref<128xi32, #tpu.memory_space<vmem>>
    %dma_wait3A_411 = arith.constant 0 : i32
    %dma_wait3A_412 = arith.constant 0 : i32
    %dma_wait3A_413 = tpu.memref_slice %arg3[%dma_wait3A_411, %dma_wait3A_412] : memref<100000x128xf32, #tpu.memory_space<hbm>> -> memref<100000x128xf32, #tpu.memory_space<hbm>>
    tpu.wait_indirect_dma semaphore(%arg7 : memref<!tpu.dma_semaphore, #tpu.memory_space<semaphore_mem>>) src(%dma_wait3A_413 : memref<100000x128xf32, #tpu.memory_space<hbm>>) dst(%dma_wait3A_408 : memref<128x128xf32, #tpu.memory_space<vmem>>)
    %add3A_414 = arith.constant 5504 : i32
    %add3A_415 = arith.addi %mul3A_2, %add3A_414 : i32
    %dma_start3A_416 = arith.constant 1 : i32
    %dma_start3A_417 = arith.constant 0 : i32
    %dma_start3A_418 = arith.constant 0 : i32
    %dma_start3A_419 = tpu.memref_slice %arg6[%dma_start3A_416, %dma_start3A_417, %dma_start3A_418] : memref<7x128x128xf32, #tpu.memory_space<vmem>> -> memref<1x128x128xf32, #tpu.memory_space<vmem>>
    %dma_start3A_420 = tpu.memref_squeeze %dma_start3A_419 : memref<1x128x128xf32, #tpu.memory_space<vmem>> -> memref<128x128xf32, #tpu.memory_space<vmem>>
    %dma_start3A_421 = arith.constant 0 : i32
    %dma_start3A_422 = tpu.memref_slice %arg4[%add3A_415, %dma_start3A_421] : memref<204800x128xf32, #tpu.memory_space<hbm>> -> memref<128x128xf32, #tpu.memory_space<hbm>>
    %dma_start3A_423 = arith.constant 0 : i32
    %dma_start3A_424 = tpu.memref_slice %arg4[%add3A_415, %dma_start3A_423] : memref<204800x128xf32, #tpu.memory_space<hbm>> -> memref<128x128xf32, #tpu.memory_space<hbm>>
    %dma_start3A_425 = arith.constant 0 : i32
    %dma_start3A_426 = arith.constant 0 : i32
    %dma_start3A_427 = tpu.memref_slice %arg6[%dma_start3A_416, %dma_start3A_425, %dma_start3A_426] : memref<7x128x128xf32, #tpu.memory_space<vmem>> -> memref<1x128x128xf32, #tpu.memory_space<vmem>>
    %dma_start3A_428 = tpu.memref_squeeze %dma_start3A_427 : memref<1x128x128xf32, #tpu.memory_space<vmem>> -> memref<128x128xf32, #tpu.memory_space<vmem>>
    tpu.enqueue_dma source(%dma_start3A_428 : memref<128x128xf32, #tpu.memory_space<vmem>>) target(%dma_start3A_424 : memref<128x128xf32, #tpu.memory_space<hbm>>) target_semaphore(%arg8 : memref<!tpu.dma_semaphore, #tpu.memory_space<semaphore_mem>>)
    %dma_wait3A_429 = arith.constant 5 : i32
    %dma_wait3A_430 = arith.constant 0 : i32
    %dma_wait3A_431 = arith.constant 0 : i32
    %dma_wait3A_432 = tpu.memref_slice %arg6[%dma_wait3A_429, %dma_wait3A_430, %dma_wait3A_431] : memref<7x128x128xf32, #tpu.memory_space<vmem>> -> memref<1x128x128xf32, #tpu.memory_space<vmem>>
    %dma_wait3A_433 = tpu.memref_squeeze %dma_wait3A_432 : memref<1x128x128xf32, #tpu.memory_space<vmem>> -> memref<128x128xf32, #tpu.memory_space<vmem>>
    %dma_wait3A_434 = arith.constant 0 : i32
    %dma_wait3A_435 = tpu.memref_slice %arg4[%mul3A_2, %dma_wait3A_434] : memref<204800x128xf32, #tpu.memory_space<hbm>> -> memref<128x128xf32, #tpu.memory_space<hbm>>
    %dma_wait3A_436 = arith.constant 0 : i32
    %dma_wait3A_437 = tpu.memref_slice %arg4[%mul3A_2, %dma_wait3A_436] : memref<204800x128xf32, #tpu.memory_space<hbm>> -> memref<128x128xf32, #tpu.memory_space<hbm>>
    %dma_wait3A_438 = arith.constant 0 : i32
    %dma_wait3A_439 = arith.constant 0 : i32
    %dma_wait3A_440 = tpu.memref_slice %arg6[%dma_wait3A_429, %dma_wait3A_438, %dma_wait3A_439] : memref<7x128x128xf32, #tpu.memory_space<vmem>> -> memref<1x128x128xf32, #tpu.memory_space<vmem>>
    %dma_wait3A_441 = tpu.memref_squeeze %dma_wait3A_440 : memref<1x128x128xf32, #tpu.memory_space<vmem>> -> memref<128x128xf32, #tpu.memory_space<vmem>>
    tpu.wait_dma2 semaphore(%arg8 : memref<!tpu.dma_semaphore, #tpu.memory_space<semaphore_mem>>) src(%dma_wait3A_441 : memref<128x128xf32, #tpu.memory_space<vmem>>) dst(%dma_wait3A_437 : memref<128x128xf32, #tpu.memory_space<hbm>>)
    %dma_start3A_442 = arith.constant 5 : i32
    %dma_start3A_443 = arith.constant 0 : i32
    %dma_start3A_444 = arith.constant 0 : i32
    %dma_start3A_445 = tpu.memref_slice %arg6[%dma_start3A_442, %dma_start3A_443, %dma_start3A_444] : memref<7x128x128xf32, #tpu.memory_space<vmem>> -> memref<1x128x128xf32, #tpu.memory_space<vmem>>
    %dma_start3A_446 = tpu.memref_squeeze %dma_start3A_445 : memref<1x128x128xf32, #tpu.memory_space<vmem>> -> memref<128x128xf32, #tpu.memory_space<vmem>>
    %dma_start3A_447 = arith.constant 6016 : i32
    %dma_start3A_448 = tpu.memref_slice %arg5[%dma_start3A_447] : memref<6400xi32, #tpu.memory_space<vmem>> -> memref<128xi32, #tpu.memory_space<vmem>>
    %dma_start3A_449 = arith.constant 0 : i32
    %dma_start3A_450 = arith.constant 0 : i32
    %dma_start3A_451 = tpu.memref_slice %arg3[%dma_start3A_449, %dma_start3A_450] : memref<100000x128xf32, #tpu.memory_space<hbm>> -> memref<100000x128xf32, #tpu.memory_space<hbm>>
    tpu.enqueue_indirect_dma source(%dma_start3A_451 : memref<100000x128xf32, #tpu.memory_space<hbm>>) target(%dma_start3A_446 : memref<128x128xf32, #tpu.memory_space<vmem>>) offsets(%dma_start3A_448 : memref<128xi32, #tpu.memory_space<vmem>>) semaphore(%arg7 : memref<!tpu.dma_semaphore, #tpu.memory_space<semaphore_mem>>)
    %dma_wait3A_452 = arith.constant 2 : i32
    %dma_wait3A_453 = arith.constant 0 : i32
    %dma_wait3A_454 = arith.constant 0 : i32
    %dma_wait3A_455 = tpu.memref_slice %arg6[%dma_wait3A_452, %dma_wait3A_453, %dma_wait3A_454] : memref<7x128x128xf32, #tpu.memory_space<vmem>> -> memref<1x128x128xf32, #tpu.memory_space<vmem>>
    %dma_wait3A_456 = tpu.memref_squeeze %dma_wait3A_455 : memref<1x128x128xf32, #tpu.memory_space<vmem>> -> memref<128x128xf32, #tpu.memory_space<vmem>>
    %dma_wait3A_457 = arith.constant 0 : i32
    %dma_wait3A_458 = tpu.memref_slice %arg5[%dma_wait3A_457] : memref<6400xi32, #tpu.memory_space<vmem>> -> memref<128xi32, #tpu.memory_space<vmem>>
    %dma_wait3A_459 = arith.constant 0 : i32
    %dma_wait3A_460 = arith.constant 0 : i32
    %dma_wait3A_461 = tpu.memref_slice %arg3[%dma_wait3A_459, %dma_wait3A_460] : memref<100000x128xf32, #tpu.memory_space<hbm>> -> memref<100000x128xf32, #tpu.memory_space<hbm>>
    tpu.wait_indirect_dma semaphore(%arg7 : memref<!tpu.dma_semaphore, #tpu.memory_space<semaphore_mem>>) src(%dma_wait3A_461 : memref<100000x128xf32, #tpu.memory_space<hbm>>) dst(%dma_wait3A_456 : memref<128x128xf32, #tpu.memory_space<vmem>>)
    %add3A_462 = arith.constant 5632 : i32
    %add3A_463 = arith.addi %mul3A_2, %add3A_462 : i32
    %dma_start3A_464 = arith.constant 2 : i32
    %dma_start3A_465 = arith.constant 0 : i32
    %dma_start3A_466 = arith.constant 0 : i32
    %dma_start3A_467 = tpu.memref_slice %arg6[%dma_start3A_464, %dma_start3A_465, %dma_start3A_466] : memref<7x128x128xf32, #tpu.memory_space<vmem>> -> memref<1x128x128xf32, #tpu.memory_space<vmem>>
    %dma_start3A_468 = tpu.memref_squeeze %dma_start3A_467 : memref<1x128x128xf32, #tpu.memory_space<vmem>> -> memref<128x128xf32, #tpu.memory_space<vmem>>
    %dma_start3A_469 = arith.constant 0 : i32
    %dma_start3A_470 = tpu.memref_slice %arg4[%add3A_463, %dma_start3A_469] : memref<204800x128xf32, #tpu.memory_space<hbm>> -> memref<128x128xf32, #tpu.memory_space<hbm>>
    %dma_start3A_471 = arith.constant 0 : i32
    %dma_start3A_472 = tpu.memref_slice %arg4[%add3A_463, %dma_start3A_471] : memref<204800x128xf32, #tpu.memory_space<hbm>> -> memref<128x128xf32, #tpu.memory_space<hbm>>
    %dma_start3A_473 = arith.constant 0 : i32
    %dma_start3A_474 = arith.constant 0 : i32
    %dma_start3A_475 = tpu.memref_slice %arg6[%dma_start3A_464, %dma_start3A_473, %dma_start3A_474] : memref<7x128x128xf32, #tpu.memory_space<vmem>> -> memref<1x128x128xf32, #tpu.memory_space<vmem>>
    %dma_start3A_476 = tpu.memref_squeeze %dma_start3A_475 : memref<1x128x128xf32, #tpu.memory_space<vmem>> -> memref<128x128xf32, #tpu.memory_space<vmem>>
    tpu.enqueue_dma source(%dma_start3A_476 : memref<128x128xf32, #tpu.memory_space<vmem>>) target(%dma_start3A_472 : memref<128x128xf32, #tpu.memory_space<hbm>>) target_semaphore(%arg8 : memref<!tpu.dma_semaphore, #tpu.memory_space<semaphore_mem>>)
    %dma_wait3A_477 = arith.constant 6 : i32
    %dma_wait3A_478 = arith.constant 0 : i32
    %dma_wait3A_479 = arith.constant 0 : i32
    %dma_wait3A_480 = tpu.memref_slice %arg6[%dma_wait3A_477, %dma_wait3A_478, %dma_wait3A_479] : memref<7x128x128xf32, #tpu.memory_space<vmem>> -> memref<1x128x128xf32, #tpu.memory_space<vmem>>
    %dma_wait3A_481 = tpu.memref_squeeze %dma_wait3A_480 : memref<1x128x128xf32, #tpu.memory_space<vmem>> -> memref<128x128xf32, #tpu.memory_space<vmem>>
    %dma_wait3A_482 = arith.constant 0 : i32
    %dma_wait3A_483 = tpu.memref_slice %arg4[%mul3A_2, %dma_wait3A_482] : memref<204800x128xf32, #tpu.memory_space<hbm>> -> memref<128x128xf32, #tpu.memory_space<hbm>>
    %dma_wait3A_484 = arith.constant 0 : i32
    %dma_wait3A_485 = tpu.memref_slice %arg4[%mul3A_2, %dma_wait3A_484] : memref<204800x128xf32, #tpu.memory_space<hbm>> -> memref<128x128xf32, #tpu.memory_space<hbm>>
    %dma_wait3A_486 = arith.constant 0 : i32
    %dma_wait3A_487 = arith.constant 0 : i32
    %dma_wait3A_488 = tpu.memref_slice %arg6[%dma_wait3A_477, %dma_wait3A_486, %dma_wait3A_487] : memref<7x128x128xf32, #tpu.memory_space<vmem>> -> memref<1x128x128xf32, #tpu.memory_space<vmem>>
    %dma_wait3A_489 = tpu.memref_squeeze %dma_wait3A_488 : memref<1x128x128xf32, #tpu.memory_space<vmem>> -> memref<128x128xf32, #tpu.memory_space<vmem>>
    tpu.wait_dma2 semaphore(%arg8 : memref<!tpu.dma_semaphore, #tpu.memory_space<semaphore_mem>>) src(%dma_wait3A_489 : memref<128x128xf32, #tpu.memory_space<vmem>>) dst(%dma_wait3A_485 : memref<128x128xf32, #tpu.memory_space<hbm>>)
    %dma_start3A_490 = arith.constant 6 : i32
    %dma_start3A_491 = arith.constant 0 : i32
    %dma_start3A_492 = arith.constant 0 : i32
    %dma_start3A_493 = tpu.memref_slice %arg6[%dma_start3A_490, %dma_start3A_491, %dma_start3A_492] : memref<7x128x128xf32, #tpu.memory_space<vmem>> -> memref<1x128x128xf32, #tpu.memory_space<vmem>>
    %dma_start3A_494 = tpu.memref_squeeze %dma_start3A_493 : memref<1x128x128xf32, #tpu.memory_space<vmem>> -> memref<128x128xf32, #tpu.memory_space<vmem>>
    %dma_start3A_495 = arith.constant 6144 : i32
    %dma_start3A_496 = tpu.memref_slice %arg5[%dma_start3A_495] : memref<6400xi32, #tpu.memory_space<vmem>> -> memref<128xi32, #tpu.memory_space<vmem>>
    %dma_start3A_497 = arith.constant 0 : i32
    %dma_start3A_498 = arith.constant 0 : i32
    %dma_start3A_499 = tpu.memref_slice %arg3[%dma_start3A_497, %dma_start3A_498] : memref<100000x128xf32, #tpu.memory_space<hbm>> -> memref<100000x128xf32, #tpu.memory_space<hbm>>
    tpu.enqueue_indirect_dma source(%dma_start3A_499 : memref<100000x128xf32, #tpu.memory_space<hbm>>) target(%dma_start3A_494 : memref<128x128xf32, #tpu.memory_space<vmem>>) offsets(%dma_start3A_496 : memref<128xi32, #tpu.memory_space<vmem>>) semaphore(%arg7 : memref<!tpu.dma_semaphore, #tpu.memory_space<semaphore_mem>>)
    %dma_wait3A_500 = arith.constant 3 : i32
    %dma_wait3A_501 = arith.constant 0 : i32
    %dma_wait3A_502 = arith.constant 0 : i32
    %dma_wait3A_503 = tpu.memref_slice %arg6[%dma_wait3A_500, %dma_wait3A_501, %dma_wait3A_502] : memref<7x128x128xf32, #tpu.memory_space<vmem>> -> memref<1x128x128xf32, #tpu.memory_space<vmem>>
    %dma_wait3A_504 = tpu.memref_squeeze %dma_wait3A_503 : memref<1x128x128xf32, #tpu.memory_space<vmem>> -> memref<128x128xf32, #tpu.memory_space<vmem>>
    %dma_wait3A_505 = arith.constant 0 : i32
    %dma_wait3A_506 = tpu.memref_slice %arg5[%dma_wait3A_505] : memref<6400xi32, #tpu.memory_space<vmem>> -> memref<128xi32, #tpu.memory_space<vmem>>
    %dma_wait3A_507 = arith.constant 0 : i32
    %dma_wait3A_508 = arith.constant 0 : i32
    %dma_wait3A_509 = tpu.memref_slice %arg3[%dma_wait3A_507, %dma_wait3A_508] : memref<100000x128xf32, #tpu.memory_space<hbm>> -> memref<100000x128xf32, #tpu.memory_space<hbm>>
    tpu.wait_indirect_dma semaphore(%arg7 : memref<!tpu.dma_semaphore, #tpu.memory_space<semaphore_mem>>) src(%dma_wait3A_509 : memref<100000x128xf32, #tpu.memory_space<hbm>>) dst(%dma_wait3A_504 : memref<128x128xf32, #tpu.memory_space<vmem>>)
    %add3A_510 = arith.constant 5760 : i32
    %add3A_511 = arith.addi %mul3A_2, %add3A_510 : i32
    %dma_start3A_512 = arith.constant 3 : i32
    %dma_start3A_513 = arith.constant 0 : i32
    %dma_start3A_514 = arith.constant 0 : i32
    %dma_start3A_515 = tpu.memref_slice %arg6[%dma_start3A_512, %dma_start3A_513, %dma_start3A_514] : memref<7x128x128xf32, #tpu.memory_space<vmem>> -> memref<1x128x128xf32, #tpu.memory_space<vmem>>
    %dma_start3A_516 = tpu.memref_squeeze %dma_start3A_515 : memref<1x128x128xf32, #tpu.memory_space<vmem>> -> memref<128x128xf32, #tpu.memory_space<vmem>>
    %dma_start3A_517 = arith.constant 0 : i32
    %dma_start3A_518 = tpu.memref_slice %arg4[%add3A_511, %dma_start3A_517] : memref<204800x128xf32, #tpu.memory_space<hbm>> -> memref<128x128xf32, #tpu.memory_space<hbm>>
    %dma_start3A_519 = arith.constant 0 : i32
    %dma_start3A_520 = tpu.memref_slice %arg4[%add3A_511, %dma_start3A_519] : memref<204800x128xf32, #tpu.memory_space<hbm>> -> memref<128x128xf32, #tpu.memory_space<hbm>>
    %dma_start3A_521 = arith.constant 0 : i32
    %dma_start3A_522 = arith.constant 0 : i32
    %dma_start3A_523 = tpu.memref_slice %arg6[%dma_start3A_512, %dma_start3A_521, %dma_start3A_522] : memref<7x128x128xf32, #tpu.memory_space<vmem>> -> memref<1x128x128xf32, #tpu.memory_space<vmem>>
    %dma_start3A_524 = tpu.memref_squeeze %dma_start3A_523 : memref<1x128x128xf32, #tpu.memory_space<vmem>> -> memref<128x128xf32, #tpu.memory_space<vmem>>
    tpu.enqueue_dma source(%dma_start3A_524 : memref<128x128xf32, #tpu.memory_space<vmem>>) target(%dma_start3A_520 : memref<128x128xf32, #tpu.memory_space<hbm>>) target_semaphore(%arg8 : memref<!tpu.dma_semaphore, #tpu.memory_space<semaphore_mem>>)
    %dma_wait3A_525 = arith.constant 0 : i32
    %dma_wait3A_526 = arith.constant 0 : i32
    %dma_wait3A_527 = arith.constant 0 : i32
    %dma_wait3A_528 = tpu.memref_slice %arg6[%dma_wait3A_525, %dma_wait3A_526, %dma_wait3A_527] : memref<7x128x128xf32, #tpu.memory_space<vmem>> -> memref<1x128x128xf32, #tpu.memory_space<vmem>>
    %dma_wait3A_529 = tpu.memref_squeeze %dma_wait3A_528 : memref<1x128x128xf32, #tpu.memory_space<vmem>> -> memref<128x128xf32, #tpu.memory_space<vmem>>
    %dma_wait3A_530 = arith.constant 0 : i32
    %dma_wait3A_531 = tpu.memref_slice %arg4[%mul3A_2, %dma_wait3A_530] : memref<204800x128xf32, #tpu.memory_space<hbm>> -> memref<128x128xf32, #tpu.memory_space<hbm>>
    %dma_wait3A_532 = arith.constant 0 : i32
    %dma_wait3A_533 = tpu.memref_slice %arg4[%mul3A_2, %dma_wait3A_532] : memref<204800x128xf32, #tpu.memory_space<hbm>> -> memref<128x128xf32, #tpu.memory_space<hbm>>
    %dma_wait3A_534 = arith.constant 0 : i32
    %dma_wait3A_535 = arith.constant 0 : i32
    %dma_wait3A_536 = tpu.memref_slice %arg6[%dma_wait3A_525, %dma_wait3A_534, %dma_wait3A_535] : memref<7x128x128xf32, #tpu.memory_space<vmem>> -> memref<1x128x128xf32, #tpu.memory_space<vmem>>
    %dma_wait3A_537 = tpu.memref_squeeze %dma_wait3A_536 : memref<1x128x128xf32, #tpu.memory_space<vmem>> -> memref<128x128xf32, #tpu.memory_space<vmem>>
    tpu.wait_dma2 semaphore(%arg8 : memref<!tpu.dma_semaphore, #tpu.memory_space<semaphore_mem>>) src(%dma_wait3A_537 : memref<128x128xf32, #tpu.memory_space<vmem>>) dst(%dma_wait3A_533 : memref<128x128xf32, #tpu.memory_space<hbm>>)
    %dma_start3A_538 = arith.constant 0 : i32
    %dma_start3A_539 = arith.constant 0 : i32
    %dma_start3A_540 = arith.constant 0 : i32
    %dma_start3A_541 = tpu.memref_slice %arg6[%dma_start3A_538, %dma_start3A_539, %dma_start3A_540] : memref<7x128x128xf32, #tpu.memory_space<vmem>> -> memref<1x128x128xf32, #tpu.memory_space<vmem>>
    %dma_start3A_542 = tpu.memref_squeeze %dma_start3A_541 : memref<1x128x128xf32, #tpu.memory_space<vmem>> -> memref<128x128xf32, #tpu.memory_space<vmem>>
    %dma_start3A_543 = arith.constant 6272 : i32
    %dma_start3A_544 = tpu.memref_slice %arg5[%dma_start3A_543] : memref<6400xi32, #tpu.memory_space<vmem>> -> memref<128xi32, #tpu.memory_space<vmem>>
    %dma_start3A_545 = arith.constant 0 : i32
    %dma_start3A_546 = arith.constant 0 : i32
    %dma_start3A_547 = tpu.memref_slice %arg3[%dma_start3A_545, %dma_start3A_546] : memref<100000x128xf32, #tpu.memory_space<hbm>> -> memref<100000x128xf32, #tpu.memory_space<hbm>>
    tpu.enqueue_indirect_dma source(%dma_start3A_547 : memref<100000x128xf32, #tpu.memory_space<hbm>>) target(%dma_start3A_542 : memref<128x128xf32, #tpu.memory_space<vmem>>) offsets(%dma_start3A_544 : memref<128xi32, #tpu.memory_space<vmem>>) semaphore(%arg7 : memref<!tpu.dma_semaphore, #tpu.memory_space<semaphore_mem>>)
    %dma_wait3A_548 = arith.constant 4 : i32
    %dma_wait3A_549 = arith.constant 0 : i32
    %dma_wait3A_550 = arith.constant 0 : i32
    %dma_wait3A_551 = tpu.memref_slice %arg6[%dma_wait3A_548, %dma_wait3A_549, %dma_wait3A_550] : memref<7x128x128xf32, #tpu.memory_space<vmem>> -> memref<1x128x128xf32, #tpu.memory_space<vmem>>
    %dma_wait3A_552 = tpu.memref_squeeze %dma_wait3A_551 : memref<1x128x128xf32, #tpu.memory_space<vmem>> -> memref<128x128xf32, #tpu.memory_space<vmem>>
    %dma_wait3A_553 = arith.constant 0 : i32
    %dma_wait3A_554 = tpu.memref_slice %arg5[%dma_wait3A_553] : memref<6400xi32, #tpu.memory_space<vmem>> -> memref<128xi32, #tpu.memory_space<vmem>>
    %dma_wait3A_555 = arith.constant 0 : i32
    %dma_wait3A_556 = arith.constant 0 : i32
    %dma_wait3A_557 = tpu.memref_slice %arg3[%dma_wait3A_555, %dma_wait3A_556] : memref<100000x128xf32, #tpu.memory_space<hbm>> -> memref<100000x128xf32, #tpu.memory_space<hbm>>
    tpu.wait_indirect_dma semaphore(%arg7 : memref<!tpu.dma_semaphore, #tpu.memory_space<semaphore_mem>>) src(%dma_wait3A_557 : memref<100000x128xf32, #tpu.memory_space<hbm>>) dst(%dma_wait3A_552 : memref<128x128xf32, #tpu.memory_space<vmem>>)
    %add3A_558 = arith.constant 5888 : i32
    %add3A_559 = arith.addi %mul3A_2, %add3A_558 : i32
    %dma_start3A_560 = arith.constant 4 : i32
    %dma_start3A_561 = arith.constant 0 : i32
    %dma_start3A_562 = arith.constant 0 : i32
    %dma_start3A_563 = tpu.memref_slice %arg6[%dma_start3A_560, %dma_start3A_561, %dma_start3A_562] : memref<7x128x128xf32, #tpu.memory_space<vmem>> -> memref<1x128x128xf32, #tpu.memory_space<vmem>>
    %dma_start3A_564 = tpu.memref_squeeze %dma_start3A_563 : memref<1x128x128xf32, #tpu.memory_space<vmem>> -> memref<128x128xf32, #tpu.memory_space<vmem>>
    %dma_start3A_565 = arith.constant 0 : i32
    %dma_start3A_566 = tpu.memref_slice %arg4[%add3A_559, %dma_start3A_565] : memref<204800x128xf32, #tpu.memory_space<hbm>> -> memref<128x128xf32, #tpu.memory_space<hbm>>
    %dma_start3A_567 = arith.constant 0 : i32
    %dma_start3A_568 = tpu.memref_slice %arg4[%add3A_559, %dma_start3A_567] : memref<204800x128xf32, #tpu.memory_space<hbm>> -> memref<128x128xf32, #tpu.memory_space<hbm>>
    %dma_start3A_569 = arith.constant 0 : i32
    %dma_start3A_570 = arith.constant 0 : i32
    %dma_start3A_571 = tpu.memref_slice %arg6[%dma_start3A_560, %dma_start3A_569, %dma_start3A_570] : memref<7x128x128xf32, #tpu.memory_space<vmem>> -> memref<1x128x128xf32, #tpu.memory_space<vmem>>
    %dma_start3A_572 = tpu.memref_squeeze %dma_start3A_571 : memref<1x128x128xf32, #tpu.memory_space<vmem>> -> memref<128x128xf32, #tpu.memory_space<vmem>>
    tpu.enqueue_dma source(%dma_start3A_572 : memref<128x128xf32, #tpu.memory_space<vmem>>) target(%dma_start3A_568 : memref<128x128xf32, #tpu.memory_space<hbm>>) target_semaphore(%arg8 : memref<!tpu.dma_semaphore, #tpu.memory_space<semaphore_mem>>)
    %dma_wait3A_573 = arith.constant 5 : i32
    %dma_wait3A_574 = arith.constant 0 : i32
    %dma_wait3A_575 = arith.constant 0 : i32
    %dma_wait3A_576 = tpu.memref_slice %arg6[%dma_wait3A_573, %dma_wait3A_574, %dma_wait3A_575] : memref<7x128x128xf32, #tpu.memory_space<vmem>> -> memref<1x128x128xf32, #tpu.memory_space<vmem>>
    %dma_wait3A_577 = tpu.memref_squeeze %dma_wait3A_576 : memref<1x128x128xf32, #tpu.memory_space<vmem>> -> memref<128x128xf32, #tpu.memory_space<vmem>>
    %dma_wait3A_578 = arith.constant 0 : i32
    %dma_wait3A_579 = tpu.memref_slice %arg5[%dma_wait3A_578] : memref<6400xi32, #tpu.memory_space<vmem>> -> memref<128xi32, #tpu.memory_space<vmem>>
    %dma_wait3A_580 = arith.constant 0 : i32
    %dma_wait3A_581 = arith.constant 0 : i32
    %dma_wait3A_582 = tpu.memref_slice %arg3[%dma_wait3A_580, %dma_wait3A_581] : memref<100000x128xf32, #tpu.memory_space<hbm>> -> memref<100000x128xf32, #tpu.memory_space<hbm>>
    tpu.wait_indirect_dma semaphore(%arg7 : memref<!tpu.dma_semaphore, #tpu.memory_space<semaphore_mem>>) src(%dma_wait3A_582 : memref<100000x128xf32, #tpu.memory_space<hbm>>) dst(%dma_wait3A_577 : memref<128x128xf32, #tpu.memory_space<vmem>>)
    %add3A_583 = arith.constant 6016 : i32
    %add3A_584 = arith.addi %mul3A_2, %add3A_583 : i32
    %dma_start3A_585 = arith.constant 5 : i32
    %dma_start3A_586 = arith.constant 0 : i32
    %dma_start3A_587 = arith.constant 0 : i32
    %dma_start3A_588 = tpu.memref_slice %arg6[%dma_start3A_585, %dma_start3A_586, %dma_start3A_587] : memref<7x128x128xf32, #tpu.memory_space<vmem>> -> memref<1x128x128xf32, #tpu.memory_space<vmem>>
    %dma_start3A_589 = tpu.memref_squeeze %dma_start3A_588 : memref<1x128x128xf32, #tpu.memory_space<vmem>> -> memref<128x128xf32, #tpu.memory_space<vmem>>
    %dma_start3A_590 = arith.constant 0 : i32
    %dma_start3A_591 = tpu.memref_slice %arg4[%add3A_584, %dma_start3A_590] : memref<204800x128xf32, #tpu.memory_space<hbm>> -> memref<128x128xf32, #tpu.memory_space<hbm>>
    %dma_start3A_592 = arith.constant 0 : i32
    %dma_start3A_593 = tpu.memref_slice %arg4[%add3A_584, %dma_start3A_592] : memref<204800x128xf32, #tpu.memory_space<hbm>> -> memref<128x128xf32, #tpu.memory_space<hbm>>
    %dma_start3A_594 = arith.constant 0 : i32
    %dma_start3A_595 = arith.constant 0 : i32
    %dma_start3A_596 = tpu.memref_slice %arg6[%dma_start3A_585, %dma_start3A_594, %dma_start3A_595] : memref<7x128x128xf32, #tpu.memory_space<vmem>> -> memref<1x128x128xf32, #tpu.memory_space<vmem>>
    %dma_start3A_597 = tpu.memref_squeeze %dma_start3A_596 : memref<1x128x128xf32, #tpu.memory_space<vmem>> -> memref<128x128xf32, #tpu.memory_space<vmem>>
    tpu.enqueue_dma source(%dma_start3A_597 : memref<128x128xf32, #tpu.memory_space<vmem>>) target(%dma_start3A_593 : memref<128x128xf32, #tpu.memory_space<hbm>>) target_semaphore(%arg8 : memref<!tpu.dma_semaphore, #tpu.memory_space<semaphore_mem>>)
    %dma_wait3A_598 = arith.constant 6 : i32
    %dma_wait3A_599 = arith.constant 0 : i32
    %dma_wait3A_600 = arith.constant 0 : i32
    %dma_wait3A_601 = tpu.memref_slice %arg6[%dma_wait3A_598, %dma_wait3A_599, %dma_wait3A_600] : memref<7x128x128xf32, #tpu.memory_space<vmem>> -> memref<1x128x128xf32, #tpu.memory_space<vmem>>
    %dma_wait3A_602 = tpu.memref_squeeze %dma_wait3A_601 : memref<1x128x128xf32, #tpu.memory_space<vmem>> -> memref<128x128xf32, #tpu.memory_space<vmem>>
    %dma_wait3A_603 = arith.constant 0 : i32
    %dma_wait3A_604 = tpu.memref_slice %arg5[%dma_wait3A_603] : memref<6400xi32, #tpu.memory_space<vmem>> -> memref<128xi32, #tpu.memory_space<vmem>>
    %dma_wait3A_605 = arith.constant 0 : i32
    %dma_wait3A_606 = arith.constant 0 : i32
    %dma_wait3A_607 = tpu.memref_slice %arg3[%dma_wait3A_605, %dma_wait3A_606] : memref<100000x128xf32, #tpu.memory_space<hbm>> -> memref<100000x128xf32, #tpu.memory_space<hbm>>
    tpu.wait_indirect_dma semaphore(%arg7 : memref<!tpu.dma_semaphore, #tpu.memory_space<semaphore_mem>>) src(%dma_wait3A_607 : memref<100000x128xf32, #tpu.memory_space<hbm>>) dst(%dma_wait3A_602 : memref<128x128xf32, #tpu.memory_space<vmem>>)
    %add3A_608 = arith.constant 6144 : i32
    %add3A_609 = arith.addi %mul3A_2, %add3A_608 : i32
    %dma_start3A_610 = arith.constant 6 : i32
    %dma_start3A_611 = arith.constant 0 : i32
    %dma_start3A_612 = arith.constant 0 : i32
    %dma_start3A_613 = tpu.memref_slice %arg6[%dma_start3A_610, %dma_start3A_611, %dma_start3A_612] : memref<7x128x128xf32, #tpu.memory_space<vmem>> -> memref<1x128x128xf32, #tpu.memory_space<vmem>>
    %dma_start3A_614 = tpu.memref_squeeze %dma_start3A_613 : memref<1x128x128xf32, #tpu.memory_space<vmem>> -> memref<128x128xf32, #tpu.memory_space<vmem>>
    %dma_start3A_615 = arith.constant 0 : i32
    %dma_start3A_616 = tpu.memref_slice %arg4[%add3A_609, %dma_start3A_615] : memref<204800x128xf32, #tpu.memory_space<hbm>> -> memref<128x128xf32, #tpu.memory_space<hbm>>
    %dma_start3A_617 = arith.constant 0 : i32
    %dma_start3A_618 = tpu.memref_slice %arg4[%add3A_609, %dma_start3A_617] : memref<204800x128xf32, #tpu.memory_space<hbm>> -> memref<128x128xf32, #tpu.memory_space<hbm>>
    %dma_start3A_619 = arith.constant 0 : i32
    %dma_start3A_620 = arith.constant 0 : i32
    %dma_start3A_621 = tpu.memref_slice %arg6[%dma_start3A_610, %dma_start3A_619, %dma_start3A_620] : memref<7x128x128xf32, #tpu.memory_space<vmem>> -> memref<1x128x128xf32, #tpu.memory_space<vmem>>
    %dma_start3A_622 = tpu.memref_squeeze %dma_start3A_621 : memref<1x128x128xf32, #tpu.memory_space<vmem>> -> memref<128x128xf32, #tpu.memory_space<vmem>>
    tpu.enqueue_dma source(%dma_start3A_622 : memref<128x128xf32, #tpu.memory_space<vmem>>) target(%dma_start3A_618 : memref<128x128xf32, #tpu.memory_space<hbm>>) target_semaphore(%arg8 : memref<!tpu.dma_semaphore, #tpu.memory_space<semaphore_mem>>)
    %dma_wait3A_623 = arith.constant 0 : i32
    %dma_wait3A_624 = arith.constant 0 : i32
    %dma_wait3A_625 = arith.constant 0 : i32
    %dma_wait3A_626 = tpu.memref_slice %arg6[%dma_wait3A_623, %dma_wait3A_624, %dma_wait3A_625] : memref<7x128x128xf32, #tpu.memory_space<vmem>> -> memref<1x128x128xf32, #tpu.memory_space<vmem>>
    %dma_wait3A_627 = tpu.memref_squeeze %dma_wait3A_626 : memref<1x128x128xf32, #tpu.memory_space<vmem>> -> memref<128x128xf32, #tpu.memory_space<vmem>>
    %dma_wait3A_628 = arith.constant 0 : i32
    %dma_wait3A_629 = tpu.memref_slice %arg5[%dma_wait3A_628] : memref<6400xi32, #tpu.memory_space<vmem>> -> memref<128xi32, #tpu.memory_space<vmem>>
    %dma_wait3A_630 = arith.constant 0 : i32
    %dma_wait3A_631 = arith.constant 0 : i32
    %dma_wait3A_632 = tpu.memref_slice %arg3[%dma_wait3A_630, %dma_wait3A_631] : memref<100000x128xf32, #tpu.memory_space<hbm>> -> memref<100000x128xf32, #tpu.memory_space<hbm>>
    tpu.wait_indirect_dma semaphore(%arg7 : memref<!tpu.dma_semaphore, #tpu.memory_space<semaphore_mem>>) src(%dma_wait3A_632 : memref<100000x128xf32, #tpu.memory_space<hbm>>) dst(%dma_wait3A_627 : memref<128x128xf32, #tpu.memory_space<vmem>>)
    %add3A_633 = arith.constant 6272 : i32
    %add3A_634 = arith.addi %mul3A_2, %add3A_633 : i32
    %dma_start3A_635 = arith.constant 0 : i32
    %dma_start3A_636 = arith.constant 0 : i32
    %dma_start3A_637 = arith.constant 0 : i32
    %dma_start3A_638 = tpu.memref_slice %arg6[%dma_start3A_635, %dma_start3A_636, %dma_start3A_637] : memref<7x128x128xf32, #tpu.memory_space<vmem>> -> memref<1x128x128xf32, #tpu.memory_space<vmem>>
    %dma_start3A_639 = tpu.memref_squeeze %dma_start3A_638 : memref<1x128x128xf32, #tpu.memory_space<vmem>> -> memref<128x128xf32, #tpu.memory_space<vmem>>
    %dma_start3A_640 = arith.constant 0 : i32
    %dma_start3A_641 = tpu.memref_slice %arg4[%add3A_634, %dma_start3A_640] : memref<204800x128xf32, #tpu.memory_space<hbm>> -> memref<128x128xf32, #tpu.memory_space<hbm>>
    %dma_start3A_642 = arith.constant 0 : i32
    %dma_start3A_643 = tpu.memref_slice %arg4[%add3A_634, %dma_start3A_642] : memref<204800x128xf32, #tpu.memory_space<hbm>> -> memref<128x128xf32, #tpu.memory_space<hbm>>
    %dma_start3A_644 = arith.constant 0 : i32
    %dma_start3A_645 = arith.constant 0 : i32
    %dma_start3A_646 = tpu.memref_slice %arg6[%dma_start3A_635, %dma_start3A_644, %dma_start3A_645] : memref<7x128x128xf32, #tpu.memory_space<vmem>> -> memref<1x128x128xf32, #tpu.memory_space<vmem>>
    %dma_start3A_647 = tpu.memref_squeeze %dma_start3A_646 : memref<1x128x128xf32, #tpu.memory_space<vmem>> -> memref<128x128xf32, #tpu.memory_space<vmem>>
    tpu.enqueue_dma source(%dma_start3A_647 : memref<128x128xf32, #tpu.memory_space<vmem>>) target(%dma_start3A_643 : memref<128x128xf32, #tpu.memory_space<hbm>>) target_semaphore(%arg8 : memref<!tpu.dma_semaphore, #tpu.memory_space<semaphore_mem>>)
    %dma_wait3A_648 = arith.constant 0 : i32
    %dma_wait3A_649 = arith.constant 0 : i32
    %dma_wait3A_650 = arith.constant 0 : i32
    %dma_wait3A_651 = tpu.memref_slice %arg6[%dma_wait3A_648, %dma_wait3A_649, %dma_wait3A_650] : memref<7x128x128xf32, #tpu.memory_space<vmem>> -> memref<1x128x128xf32, #tpu.memory_space<vmem>>
    %dma_wait3A_652 = tpu.memref_squeeze %dma_wait3A_651 : memref<1x128x128xf32, #tpu.memory_space<vmem>> -> memref<128x128xf32, #tpu.memory_space<vmem>>
    %dma_wait3A_653 = arith.constant 0 : i32
    %dma_wait3A_654 = tpu.memref_slice %arg4[%mul3A_2, %dma_wait3A_653] : memref<204800x128xf32, #tpu.memory_space<hbm>> -> memref<128x128xf32, #tpu.memory_space<hbm>>
    %dma_wait3A_655 = arith.constant 0 : i32
    %dma_wait3A_656 = tpu.memref_slice %arg4[%mul3A_2, %dma_wait3A_655] : memref<204800x128xf32, #tpu.memory_space<hbm>> -> memref<128x128xf32, #tpu.memory_space<hbm>>
    %dma_wait3A_657 = arith.constant 0 : i32
    %dma_wait3A_658 = arith.constant 0 : i32
    %dma_wait3A_659 = tpu.memref_slice %arg6[%dma_wait3A_648, %dma_wait3A_657, %dma_wait3A_658] : memref<7x128x128xf32, #tpu.memory_space<vmem>> -> memref<1x128x128xf32, #tpu.memory_space<vmem>>
    %dma_wait3A_660 = tpu.memref_squeeze %dma_wait3A_659 : memref<1x128x128xf32, #tpu.memory_space<vmem>> -> memref<128x128xf32, #tpu.memory_space<vmem>>
    tpu.wait_dma2 semaphore(%arg8 : memref<!tpu.dma_semaphore, #tpu.memory_space<semaphore_mem>>) src(%dma_wait3A_660 : memref<128x128xf32, #tpu.memory_space<vmem>>) dst(%dma_wait3A_656 : memref<128x128xf32, #tpu.memory_space<hbm>>)
    %dma_wait3A_661 = arith.constant 0 : i32
    %dma_wait3A_662 = arith.constant 0 : i32
    %dma_wait3A_663 = arith.constant 0 : i32
    %dma_wait3A_664 = tpu.memref_slice %arg6[%dma_wait3A_661, %dma_wait3A_662, %dma_wait3A_663] : memref<7x128x128xf32, #tpu.memory_space<vmem>> -> memref<1x128x128xf32, #tpu.memory_space<vmem>>
    %dma_wait3A_665 = tpu.memref_squeeze %dma_wait3A_664 : memref<1x128x128xf32, #tpu.memory_space<vmem>> -> memref<128x128xf32, #tpu.memory_space<vmem>>
    %dma_wait3A_666 = arith.constant 0 : i32
    %dma_wait3A_667 = tpu.memref_slice %arg4[%mul3A_2, %dma_wait3A_666] : memref<204800x128xf32, #tpu.memory_space<hbm>> -> memref<128x128xf32, #tpu.memory_space<hbm>>
    %dma_wait3A_668 = arith.constant 0 : i32
    %dma_wait3A_669 = tpu.memref_slice %arg4[%mul3A_2, %dma_wait3A_668] : memref<204800x128xf32, #tpu.memory_space<hbm>> -> memref<128x128xf32, #tpu.memory_space<hbm>>
    %dma_wait3A_670 = arith.constant 0 : i32
    %dma_wait3A_671 = arith.constant 0 : i32
    %dma_wait3A_672 = tpu.memref_slice %arg6[%dma_wait3A_661, %dma_wait3A_670, %dma_wait3A_671] : memref<7x128x128xf32, #tpu.memory_space<vmem>> -> memref<1x128x128xf32, #tpu.memory_space<vmem>>
    %dma_wait3A_673 = tpu.memref_squeeze %dma_wait3A_672 : memref<1x128x128xf32, #tpu.memory_space<vmem>> -> memref<128x128xf32, #tpu.memory_space<vmem>>
    tpu.wait_dma2 semaphore(%arg8 : memref<!tpu.dma_semaphore, #tpu.memory_space<semaphore_mem>>) src(%dma_wait3A_673 : memref<128x128xf32, #tpu.memory_space<vmem>>) dst(%dma_wait3A_669 : memref<128x128xf32, #tpu.memory_space<hbm>>)
    %dma_wait3A_674 = arith.constant 0 : i32
    %dma_wait3A_675 = arith.constant 0 : i32
    %dma_wait3A_676 = arith.constant 0 : i32
    %dma_wait3A_677 = tpu.memref_slice %arg6[%dma_wait3A_674, %dma_wait3A_675, %dma_wait3A_676] : memref<7x128x128xf32, #tpu.memory_space<vmem>> -> memref<1x128x128xf32, #tpu.memory_space<vmem>>
    %dma_wait3A_678 = tpu.memref_squeeze %dma_wait3A_677 : memref<1x128x128xf32, #tpu.memory_space<vmem>> -> memref<128x128xf32, #tpu.memory_space<vmem>>
    %dma_wait3A_679 = arith.constant 0 : i32
    %dma_wait3A_680 = tpu.memref_slice %arg4[%mul3A_2, %dma_wait3A_679] : memref<204800x128xf32, #tpu.memory_space<hbm>> -> memref<128x128xf32, #tpu.memory_space<hbm>>
    %dma_wait3A_681 = arith.constant 0 : i32
    %dma_wait3A_682 = tpu.memref_slice %arg4[%mul3A_2, %dma_wait3A_681] : memref<204800x128xf32, #tpu.memory_space<hbm>> -> memref<128x128xf32, #tpu.memory_space<hbm>>
    %dma_wait3A_683 = arith.constant 0 : i32
    %dma_wait3A_684 = arith.constant 0 : i32
    %dma_wait3A_685 = tpu.memref_slice %arg6[%dma_wait3A_674, %dma_wait3A_683, %dma_wait3A_684] : memref<7x128x128xf32, #tpu.memory_space<vmem>> -> memref<1x128x128xf32, #tpu.memory_space<vmem>>
    %dma_wait3A_686 = tpu.memref_squeeze %dma_wait3A_685 : memref<1x128x128xf32, #tpu.memory_space<vmem>> -> memref<128x128xf32, #tpu.memory_space<vmem>>
    tpu.wait_dma2 semaphore(%arg8 : memref<!tpu.dma_semaphore, #tpu.memory_space<semaphore_mem>>) src(%dma_wait3A_686 : memref<128x128xf32, #tpu.memory_space<vmem>>) dst(%dma_wait3A_682 : memref<128x128xf32, #tpu.memory_space<hbm>>)
    %dma_wait3A_687 = arith.constant 0 : i32
    %dma_wait3A_688 = arith.constant 0 : i32
    %dma_wait3A_689 = arith.constant 0 : i32
    %dma_wait3A_690 = tpu.memref_slice %arg6[%dma_wait3A_687, %dma_wait3A_688, %dma_wait3A_689] : memref<7x128x128xf32, #tpu.memory_space<vmem>> -> memref<1x128x128xf32, #tpu.memory_space<vmem>>
    %dma_wait3A_691 = tpu.memref_squeeze %dma_wait3A_690 : memref<1x128x128xf32, #tpu.memory_space<vmem>> -> memref<128x128xf32, #tpu.memory_space<vmem>>
    %dma_wait3A_692 = arith.constant 0 : i32
    %dma_wait3A_693 = tpu.memref_slice %arg4[%mul3A_2, %dma_wait3A_692] : memref<204800x128xf32, #tpu.memory_space<hbm>> -> memref<128x128xf32, #tpu.memory_space<hbm>>
    %dma_wait3A_694 = arith.constant 0 : i32
    %dma_wait3A_695 = tpu.memref_slice %arg4[%mul3A_2, %dma_wait3A_694] : memref<204800x128xf32, #tpu.memory_space<hbm>> -> memref<128x128xf32, #tpu.memory_space<hbm>>
    %dma_wait3A_696 = arith.constant 0 : i32
    %dma_wait3A_697 = arith.constant 0 : i32
    %dma_wait3A_698 = tpu.memref_slice %arg6[%dma_wait3A_687, %dma_wait3A_696, %dma_wait3A_697] : memref<7x128x128xf32, #tpu.memory_space<vmem>> -> memref<1x128x128xf32, #tpu.memory_space<vmem>>
    %dma_wait3A_699 = tpu.memref_squeeze %dma_wait3A_698 : memref<1x128x128xf32, #tpu.memory_space<vmem>> -> memref<128x128xf32, #tpu.memory_space<vmem>>
    tpu.wait_dma2 semaphore(%arg8 : memref<!tpu.dma_semaphore, #tpu.memory_space<semaphore_mem>>) src(%dma_wait3A_699 : memref<128x128xf32, #tpu.memory_space<vmem>>) dst(%dma_wait3A_695 : memref<128x128xf32, #tpu.memory_space<hbm>>)
    %dma_wait3A_700 = arith.constant 0 : i32
    %dma_wait3A_701 = arith.constant 0 : i32
    %dma_wait3A_702 = arith.constant 0 : i32
    %dma_wait3A_703 = tpu.memref_slice %arg6[%dma_wait3A_700, %dma_wait3A_701, %dma_wait3A_702] : memref<7x128x128xf32, #tpu.memory_space<vmem>> -> memref<1x128x128xf32, #tpu.memory_space<vmem>>
    %dma_wait3A_704 = tpu.memref_squeeze %dma_wait3A_703 : memref<1x128x128xf32, #tpu.memory_space<vmem>> -> memref<128x128xf32, #tpu.memory_space<vmem>>
    %dma_wait3A_705 = arith.constant 0 : i32
    %dma_wait3A_706 = tpu.memref_slice %arg4[%mul3A_2, %dma_wait3A_705] : memref<204800x128xf32, #tpu.memory_space<hbm>> -> memref<128x128xf32, #tpu.memory_space<hbm>>
    %dma_wait3A_707 = arith.constant 0 : i32
    %dma_wait3A_708 = tpu.memref_slice %arg4[%mul3A_2, %dma_wait3A_707] : memref<204800x128xf32, #tpu.memory_space<hbm>> -> memref<128x128xf32, #tpu.memory_space<hbm>>
    %dma_wait3A_709 = arith.constant 0 : i32
    %dma_wait3A_710 = arith.constant 0 : i32
    %dma_wait3A_711 = tpu.memref_slice %arg6[%dma_wait3A_700, %dma_wait3A_709, %dma_wait3A_710] : memref<7x128x128xf32, #tpu.memory_space<vmem>> -> memref<1x128x128xf32, #tpu.memory_space<vmem>>
    %dma_wait3A_712 = tpu.memref_squeeze %dma_wait3A_711 : memref<1x128x128xf32, #tpu.memory_space<vmem>> -> memref<128x128xf32, #tpu.memory_space<vmem>>
    tpu.wait_dma2 semaphore(%arg8 : memref<!tpu.dma_semaphore, #tpu.memory_space<semaphore_mem>>) src(%dma_wait3A_712 : memref<128x128xf32, #tpu.memory_space<vmem>>) dst(%dma_wait3A_708 : memref<128x128xf32, #tpu.memory_space<hbm>>)
    %dma_wait3A_713 = arith.constant 0 : i32
    %dma_wait3A_714 = arith.constant 0 : i32
    %dma_wait3A_715 = arith.constant 0 : i32
    %dma_wait3A_716 = tpu.memref_slice %arg6[%dma_wait3A_713, %dma_wait3A_714, %dma_wait3A_715] : memref<7x128x128xf32, #tpu.memory_space<vmem>> -> memref<1x128x128xf32, #tpu.memory_space<vmem>>
    %dma_wait3A_717 = tpu.memref_squeeze %dma_wait3A_716 : memref<1x128x128xf32, #tpu.memory_space<vmem>> -> memref<128x128xf32, #tpu.memory_space<vmem>>
    %dma_wait3A_718 = arith.constant 0 : i32
    %dma_wait3A_719 = tpu.memref_slice %arg4[%mul3A_2, %dma_wait3A_718] : memref<204800x128xf32, #tpu.memory_space<hbm>> -> memref<128x128xf32, #tpu.memory_space<hbm>>
    %dma_wait3A_720 = arith.constant 0 : i32
    %dma_wait3A_721 = tpu.memref_slice %arg4[%mul3A_2, %dma_wait3A_720] : memref<204800x128xf32, #tpu.memory_space<hbm>> -> memref<128x128xf32, #tpu.memory_space<hbm>>
    %dma_wait3A_722 = arith.constant 0 : i32
    %dma_wait3A_723 = arith.constant 0 : i32
    %dma_wait3A_724 = tpu.memref_slice %arg6[%dma_wait3A_713, %dma_wait3A_722, %dma_wait3A_723] : memref<7x128x128xf32, #tpu.memory_space<vmem>> -> memref<1x128x128xf32, #tpu.memory_space<vmem>>
    %dma_wait3A_725 = tpu.memref_squeeze %dma_wait3A_724 : memref<1x128x128xf32, #tpu.memory_space<vmem>> -> memref<128x128xf32, #tpu.memory_space<vmem>>
    tpu.wait_dma2 semaphore(%arg8 : memref<!tpu.dma_semaphore, #tpu.memory_space<semaphore_mem>>) src(%dma_wait3A_725 : memref<128x128xf32, #tpu.memory_space<vmem>>) dst(%dma_wait3A_721 : memref<128x128xf32, #tpu.memory_space<hbm>>)
    %dma_wait3A_726 = arith.constant 0 : i32
    %dma_wait3A_727 = arith.constant 0 : i32
    %dma_wait3A_728 = arith.constant 0 : i32
    %dma_wait3A_729 = tpu.memref_slice %arg6[%dma_wait3A_726, %dma_wait3A_727, %dma_wait3A_728] : memref<7x128x128xf32, #tpu.memory_space<vmem>> -> memref<1x128x128xf32, #tpu.memory_space<vmem>>
    %dma_wait3A_730 = tpu.memref_squeeze %dma_wait3A_729 : memref<1x128x128xf32, #tpu.memory_space<vmem>> -> memref<128x128xf32, #tpu.memory_space<vmem>>
    %dma_wait3A_731 = arith.constant 0 : i32
    %dma_wait3A_732 = tpu.memref_slice %arg4[%mul3A_2, %dma_wait3A_731] : memref<204800x128xf32, #tpu.memory_space<hbm>> -> memref<128x128xf32, #tpu.memory_space<hbm>>
    %dma_wait3A_733 = arith.constant 0 : i32
    %dma_wait3A_734 = tpu.memref_slice %arg4[%mul3A_2, %dma_wait3A_733] : memref<204800x128xf32, #tpu.memory_space<hbm>> -> memref<128x128xf32, #tpu.memory_space<hbm>>
    %dma_wait3A_735 = arith.constant 0 : i32
    %dma_wait3A_736 = arith.constant 0 : i32
    %dma_wait3A_737 = tpu.memref_slice %arg6[%dma_wait3A_726, %dma_wait3A_735, %dma_wait3A_736] : memref<7x128x128xf32, #tpu.memory_space<vmem>> -> memref<1x128x128xf32, #tpu.memory_space<vmem>>
    %dma_wait3A_738 = tpu.memref_squeeze %dma_wait3A_737 : memref<1x128x128xf32, #tpu.memory_space<vmem>> -> memref<128x128xf32, #tpu.memory_space<vmem>>
    tpu.wait_dma2 semaphore(%arg8 : memref<!tpu.dma_semaphore, #tpu.memory_space<semaphore_mem>>) src(%dma_wait3A_738 : memref<128x128xf32, #tpu.memory_space<vmem>>) dst(%dma_wait3A_734 : memref<128x128xf32, #tpu.memory_space<hbm>>)
    return
  }
}

</mosaic_0001>

<sc_bundles>
// kernel: kernel.3.cloned.1.call-start
scs
__scs_entry_jumppad:
0x0: {  	(pc) =	sbr.rel $0x88, $3  }
0x1: {  	(tag) =	ssettag $0x0;
	lr =	simm.s32 $0x1  }
0x2: {  	[smem:$0x3F9F] =	sst lr;
	_ =	strace $0xD0000000  }
0x3: {  	_ = 	snop  }
0x4: {  	_ = 	snop  }
0x5: {  	_ = 	snop  }
0x6: {  	_ = 	snop  }
0x7: {  	_ = 	snop  }
__scs_overlays_trampoline_lowered:
0x8: {  	[smem:$0x3FAE] =	sst s0  }
0x9: {  	[smem:$0x3FAF] =	sst s1  }
0xa: {  	[smem:$0x3FB0] =	sst s2  }
0xb: {  	[smem:$0x3FB1] =	sst s3  }
0xc: {  	[smem:$0x3FB2] =	sst s4  }
0xd: {  	[smem:$0x3FB3] =	sst s5  }
0xe: {  	[smem:$0x3FB4] =	sst s6  }
0xf: {  	[smem:$0x3FB5] =	sst s7  }
0x10: {  	[smem:$0x3FB6] =	sst s8  }
0x11: {  	[smem:$0x3FB7] =	sst s9;
	s0 =	simm.s32 @!p0 $0x0  }
0x12: {  	s1 =	sld [smem:$0x3F9D];
	s0 =	simm.s32 @p0 $0x1  }
0x13: {  	[smem:$0x3FB8] =	sst s0;
	s0 =	simm.s32 @!p1 $0x0  }
0x14: {  	s2 =	sld [smem:$0x3F9C];
	s0 =	simm.s32 @p1 $0x1  }
0x15: {  	[smem:$0x3FB9] =	sst s0;
	s0 =	simm.s32 @!p2 $0x0  }
0x16: {  	s3 =	sld [smem:$0x3FDB];
	s0 =	simm.s32 @p2 $0x1  }
0x17: {  	s4 =	simm.s32 $0x1BF5;
	[smem:$0x3FBB] =	sst s0  }
0x18: {  	s0 =	sld [smem:$0x3F9E];
	_ =	swait.ge [sflag:s4], $0x0  }
0x19: {  	s7 =	sld [smem:$0x3F9F]  }
0x1a: {  	s8 =	sadd.s32 $0xFFFFE003, lr  }
0x1b: {  	s9 =	sadd.s32 $0xFFFFFEF7, lr;
	s5 =	simm.s32 $0xFFFFFFFF;
	p2 =	slt.u32 s8, $0xFFFFF086  }
0x1c: {  	p1 =	slt.u32 s9, $0xF7A;
	s5 =	simm.s32 @!p2 $0x0  }
0x1d: {  	s5 =	simm.s32 @p1 $0x1;
	p0 =	seq.s32 s7, s2  }
0x1e: {  	s7 =	smul.u32 @!p0 $0xF7A, s2;
	p2 =	seq.s32 @!p0 s5, $0x0  }
0x1f: {  	s9 =	smul.u32 $0xF7A, s1;
	s8 =	simm.s32 @!p0 $0x1BF5;
	p2 =	por !p2, p0  }
0x20: {  	[sflag:s8] =	ssyncset.s32 @!p0 $0xFFFFF086;
	s6 =	sadd.s32 @!p0 s3, s7;
	s7 =	simm.s32 @!p0 $0x108  }
0x21: {  	s3 =	sadd.s32 s3, s9;
	s6 =	sadd.s32 @!p0 $0x88, s6;
	s7 =	simm.s32 @p2 $0x1082  }
0x22: {  	[simem:s7], [sflag:s8] =	dma.local @!p0 [hbm:s6], $0xF7A  }
0x23: {  	s9 =	sor.u32 $0xD0000000, s2;
	s6 =	simm.s32 $0x108;
	_ =	swait.ge @!p0 [sflag:s8], $0x0  }
0x24: {  	s3 =	sadd.s32 $0x88, s3;
	s6 =	simm.s32 @!p1 $0x1082;
	[sflag:s4] =	ssyncset.s32 $0xFFFFF086  }
0x25: {  	[simem:s6], [sflag:s4] =	dma.local [hbm:s3], $0xF7A  }
0x26: {  	[smem:$0x3F9F] =	sst s1;
	(tag) =	ssettag s2;
	_ =	strace s9  }
0x27: {  	s1 =	sld [smem:$0x3FAF]  }
0x28: {  	s2 =	sld [smem:$0x3FB0]  }
0x29: {  	s4 =	sld [smem:$0x3FB2]  }
0x2a: {  	p0 =	seq.s32 s5, $0x0;
	s5 =	sld [smem:$0x3FB3]  }
0x2b: {  	s6 =	sld [smem:$0x3FB4]  }
0x2c: {  	s7 =	sld [smem:$0x3FB5]  }
0x2d: {  	s3 =	simm.s32 $0x108;
	s8 =	sld [smem:$0x3FB6]  }
0x2e: {  	s3 =	simm.s32 @!p0 $0x1082;
	s9 =	sld [smem:$0x3FB7]  }
0x2f: {  	lr =	sadd.s32 s0, s3;
	s0 =	sld [smem:$0x3FAE]  }
0x30: {  	s3 =	sld [smem:$0x3FB1]  }
0x31: {  	[smem:$0x3FBA] =	sst s10  }
0x32: {  	s10 =	sld [smem:$0x3FB8];
	_ =	sdelay $0x3  }
0x33: {  	p0 =	seq.s32 s10, $0x1;
	s10 =	sld [smem:$0x3FBA];
	_ =	sdelay $0x3  }
0x34: {  	[smem:$0x3FBA] =	sst s10  }
0x35: {  	s10 =	sld [smem:$0x3FB9];
	_ =	sdelay $0x3  }
0x36: {  	p1 =	seq.s32 s10, $0x1;
	s10 =	sld [smem:$0x3FBA];
	_ =	sdelay $0x3  }
0x37: {  	[smem:$0x3FBA] =	sst s10  }
0x38: {  	s10 =	sld [smem:$0x3FBB]  }
0x39: {  	_ = 	snop;
	(pc) =	sbr.ind lr, $3  }
0x3a: {  	_ = 	snop  }
0x3b: {  	_ = 	snop  }
0x3c: {  	p2 =	seq.s32 s10, $0x1;
	s10 =	sld [smem:$0x3FBA]  }
0x3d: {  	_ =	shalt  }
0x3e: {  	_ =	shalt  }
0x3f: {  	_ =	shalt  }
0x40: {  	_ =	shalt  }
0x41: {  	_ =	shalt  }
0x42: {  	_ =	shalt  }
0x43: {  	_ =	shalt  }
0x44: {  	_ =	shalt  }
0x45: {  	_ =	shalt  }
0x46: {  	_ =	shalt  }
0x47: {  	_ =	shalt  }
0x48: {  	_ =	shalt  }
0x49: {  	_ =	shalt  }
0x4a: {  	_ =	shalt  }
0x4b: {  	_ =	shalt  }
0x4c: {  	_ =	shalt  }
0x4d: {  	_ =	shalt  }
0x4e: {  	_ =	shalt  }
0x4f: {  	_ =	shalt  }
0x50: {  	_ =	shalt  }
0x51: {  	_ =	shalt  }
0x52: {  	_ =	shalt  }
0x53: {  	_ =	shalt  }
0x54: {  	_ =	shalt  }
0x55: {  	_ =	shalt  }
0x56: {  	_ =	shalt  }
0x57: {  	_ =	shalt  }
0x58: {  	_ =	shalt  }
0x59: {  	_ =	shalt  }
0x5a: {  	_ =	shalt  }
0x5b: {  	_ =	shalt  }
0x5c: {  	_ =	shalt  }
0x5d: {  	_ =	shalt  }
0x5e: {  	_ =	shalt  }
0x5f: {  	_ =	shalt  }
0x60: {  	_ =	shalt  }
0x61: {  	_ =	shalt  }
0x62: {  	_ =	shalt  }
0x63: {  	_ =	shalt  }
0x64: {  	_ =	shalt  }
0x65: {  	_ =	shalt  }
0x66: {  	_ =	shalt  }
0x67: {  	_ =	shalt  }
0x68: {  	_ =	shalt  }
0x69: {  	_ =	shalt  }
0x6a: {  	_ =	shalt  }
0x6b: {  	_ =	shalt  }
0x6c: {  	_ =	shalt  }
0x6d: {  	_ =	shalt  }
0x6e: {  	_ =	shalt  }
0x6f: {  	_ =	shalt  }
0x70: {  	_ =	shalt  }
0x71: {  	_ =	shalt  }
0x72: {  	_ =	shalt  }
0x73: {  	_ =	shalt  }
0x74: {  	_ =	shalt  }
0x75: {  	_ =	shalt  }
0x76: {  	_ =	shalt  }
0x77: {  	_ =	shalt  }
0x78: {  	_ =	shalt  }
0x79: {  	_ =	shalt  }
0x7a: {  	_ =	shalt  }
0x7b: {  	_ =	shalt  }
0x7c: {  	_ =	shalt  }
0x7d: {  	_ =	shalt  }
0x7e: {  	_ =	shalt  }
0x7f: {  	_ =	shalt  }
0x80: {  	_ =	shalt  }
0x81: {  	_ =	shalt  }
0x82: {  	_ =	shalt  }
0x83: {  	_ =	shalt  }
0x84: {  	_ =	shalt  }
0x85: {  	_ =	shalt  }
0x86: {  	_ =	shalt  }
0x87: {  	_ =	shalt  }
.Lfunc_end0:
.L_simem_size_0:
called_computation_lowered:
.L_overlay_start_0:
0x88: {  	s2 =	sld [smem:$0x3FD9]  }
0x89: {  	s3 =	sld [smem:$0x3FFE];
	_ =	sdelay $0x1  }
0x8a: {  	s1 =	srdreg.scid  }
0x8b: {  	s0 =	sand.u32 $0x1, s1  }
0x8c: {  	s17 =	sshll.u32 s0, $0xA;
	s2 =	sadd.s32 s3, s2  }
0x8d: {  	s2 =	sadd.s32 s2, s17  }
0x8e: {  	[smem:$0x3FC6] =	sst s2  }
0x8f: {  	_ = 	snop  }
0x90: {  	s2 =	sld [smem:$0x3FC8]  }
0x91: {  	s18 =	sld [smem:$0x3FD0];
	(tm) =	ssettm $0x1  }
0x92: {  	s4 =	sld [smem:$0x3FFB];
	_ =	sdelay $0x3  }
0x93: {  	_ =	strace s4  }
0x94: {  	s4 =	sld [smem:$0x3FFC];
	_ =	sdelay $0x3  }
0x95: {  	_ =	strace s4  }
0x96: {  	s4 =	sld [smem:$0x3FFD];
	_ =	sdelay $0x3  }
0x97: {  	_ =	strace s4  }
0x98: {  	_ =	strace $0x8FFFFFFF  }
0x99: {  	s19 =	sld [smem:$0x3FDB];
	_ =	sdelay $0x1  }
0x9a: {  	s5 =	simm.s32 $_scs_section_size  }
0x9b: {  	s6 =	simm.s32 $_size__tile_overlayer_lowered;
	s7 =	simm.s32 $_tile_overlayer_lowered  }
0x9c: {  	s22 =	simm.s32 $0x1BFF;
	s21 =	sshll.u32 s7, $0x1;
	s4 =	sadd.s32 s5, s19  }
0x9d: {  	s8 =	simm.s32 $0x0;
	s20 =	sshll.u32 s6, $0x1;
	s6 =	sadd.s32 s21, s4  }
0x9e: {  	[timem:s8], [sflag:s22] =	dma.local [hbm:s6], s20  }
0x9f: {  	_ =	swait.ge [sflag:s22], s20  }
0xa0: {  	s5 =	ssub.s32 $0x0, s20;
	[sflag:s22] =	ssyncset.done $0x0  }
0xa1: {  	[sflag:s22] =	ssyncadd.s32 s5;
	_ =	sdelay $0x1  }
0xa2: {  	s23 =	simm.s32 $0x1B8B  }
0xa3: {  	_ =	swait.ge [sflag:s23], $0x1  }
0xa4: {  	[sflag:s23] =	ssyncset.done $0x0  }
0xa5: {  	s25 =	simm.s32 $0x1B8E;
	s24 =	sld [smem:$0x3FFE];
	[sflag:s23] =	ssyncadd.s32 $0xFFFFFFFF  }
0xa6: {  	s26 =	simm.s32 $execute0_lowered;
	[smem:$0x3FD2] =	sst s25  }
0xa7: {  	s6 =	sshll.u32 s26, $0x1;
	_ =	strace $0x80000046;
	[dreg:$0x1] =	wrdreg $0xFFFFFFFF  }
0xa8: {  	s28 =	simm.s32 $_size_execute0_lowered;
	s4 =	sadd.s32 s4, s6;
	[dreg:$0x0] =	wrdreg $0x0  }
0xa9: {  	s6 =	sshll.u32 s28, $0x1;
	[dreg:$0x2] =	wrdreg s4  }
0xaa: {  	[dreg:$0x3] =	wrdreg s6  }
0xab: {  	[dreg:$0x4] =	wrdreg $0xC0  }
0xac: {  	_ =	task [dreg:s8], $0x5FFFF  }
0xad: {  	[dreg:$0x1] =	wrdreg $0xFFFFFFFF  }
0xae: {  	[dreg:$0x0] =	wrdreg $0x60  }
0xaf: {  	[dreg:$0x2] =	wrdreg s24  }
0xb0: {  	[dreg:$0x3] =	wrdreg s2  }
0xb1: {  	[dreg:$0x4] =	wrdreg s18  }
0xb2: {  	[dreg:$0x5] =	wrdreg $0x9  }
0xb3: {  	_ =	task.clear_ibuf [dreg:s8], $0x6FFFF;
	_ =	strace $0x90000046  }
0xb4: {  	s29 =	simm.s32 $0x9;
	_ =	strace $0x80000048  }
0xb5: {  	_ =	swait.ge [sflag:s29], $0x1  }
0xb6: {  	[sflag:s29] =	ssyncadd.s32 $0xFFFFFFFF  }
0xb7: {  	_ =	strace $0x90000048  }
0xb8: {  	_ =	sfence  }
0xb9: {  	s30 =	sld [smem:$0x0];
	_ =	sdelay $0x2  }
0xba: {  	s31 =	sshll.u32 s1, $0xD;
	s1 =	sshrl.u32 s1, $0x2  }
0xbb: {  	s3 =	sand.u32 $0x4000, s31;
	s1 =	sadd.s32 s1, s30  }
0xbc: {  	s0 =	sor.u32 s3, s0;
	s1 =	sshll.u32 s1, $0x11  }
0xbd: {  	s0 =	sor.u32 s1, s0  }
0xbe: {  	s0 =	sadd.s32 $0x8F2B, s0  }
0xbf: {  	[sflag:s0] =	ssyncadd.remote.s32 $0x1  }
0xc0: {  	_ =	sfence.sel $0xFFFF  }
0xc1: {  	[dreg:$0x0] =	wrdreg $0xFFFFFFFF;
	(pc) =	sbr.abs _section_cstart, $3  }
0xc2: {  	[dreg:$0x1] =	wrdreg $0xFFFFFFFF  }
0xc3: {  	_ =	task.clear_ibuf [dreg:s8], $0x2FFFF;
	_ =	strace $0x9FFFFFFF  }
0xc4: {  	(tm) =	ssettm $0x7FFFFFFF  }
0xc5: {  	_ =	shalt  }
tec
execute0_lowered:
.L_overlay_start_1:
0x0: {  	(tag) =	ssettag $0x1  }
0x1: {  	s0 =	rddreg [dreg:$0x0]  }
0x2: {  	s2 =	rddreg [dreg:$0x1]  }
0x3: {  	s1 =	rddreg [dreg:$0x2]  }
0x4: {  	s4 =	srdreg.scid;
	s11 =	stileid.u32;
	s3 =	simm.s32 $0x0  }
0x5: {  	s28 =	simm.s32 $0x5900;
	s30 =	simm.s32 $0x9900;
	s29 =	simm.s32 $0x1  }
0x6: {  	s4 =	sand.u32 $0x1, s4;
	s5 =	sshll.u32 s11, $0x1;
	s25 =	smul.u32 $0x32000, s11  }
0x7: {  	s5 =	sor.u32 s4, s5;
	s6 =	ssub.s32 $0x2, s4;
	s4 =	smul.u32 $0x19000, s4  }
0x8: {  	s31 =	simm.s32 $0x11900;
	[smem:$0x7FF] =	sst s3;
	s7 =	smul.u32 $0x1900, s5  }
0x9: {  	s0 =	sadd.s32 $0x400, s0;
	s8 =	sshrl.u32 s6, $0x1;
	s9 =	smul.u32 $0x19000, s5  }
0xa: {  	_ =	strace $0x80000047;
	s5 =	smul.u32 $0xC8000, s5;
	s8 =	ssub.s32 s6, s8  }
0xb: {  	s10 =	sshrl.u32 s7, $0x3;
	s7 =	sadd.s32 $0x200, s7;
	s6 =	sadd.s32 s1, s9  }
0xc: {  	s18 =	sshrl.u32 s5, $0x3;
	s16 =	sadd.s32 s0, s10;
	s17 =	sshrl.u32 s7, $0x3  }
0xd: {  	s19 =	sadd.s32 $0x800, s6;
	s20 =	sshll.u32 s7, $0x4;
	[dreg:$0x4] =	wrdreg s16  }
0xe: {  	s7 =	simm.s32 $0x2;
	s0 =	sadd.s32 s0, s17;
	[dreg:$0x6] =	wrdreg s19  }
0xf: {  	s5 =	sadd.s32 s1, s20;
	[dreg:$0x5] =	wrdreg s0;
	s0 =	sadd.s32 s1, s18  }
0x10: {  	[dreg:$0x9] =	wrdreg s5;
	s1 =	sadd.s32 s25, s1;
	s25 =	simm.s32 $0x80  }
0x11: {  	s5 =	simm.s32 $0x19900;
	s21 =	sadd.s32 $0x1000, s0;
	s22 =	sadd.s32 $0x1800, s0  }
0x12: {  	s23 =	sadd.s32 $0x2800, s0;
	s24 =	sadd.s32 $0x3000, s0;
	s13 =	sadd.s32 $0x15000, s0  }
0x13: {  	s14 =	sadd.s32 $0x15800, s0;
	s15 =	sadd.s32 $0x16000, s0;
	s16 =	sadd.s32 $0x16800, s0  }
0x14: {  	s17 =	sadd.s32 $0x17000, s0;
	s18 =	sadd.s32 $0x17800, s0;
	[dreg:$0x7] =	wrdreg s21  }
0x15: {  	s19 =	sadd.s32 $0x18000, s0;
	s20 =	sadd.s32 $0x18800, s0;
	[dreg:$0x8] =	wrdreg s22  }
0x16: {  	s26 =	sadd.s32 s4, s1;
	s0 =	simm.s32 $0xD900;
	[dreg:$0xa] =	wrdreg s23  }
0x17: {  	s1 =	simm.s32 $0x3;
	s4 =	simm.s32 $0x15900;
	[dreg:$0xb] =	wrdreg s24  }
0x18: {  	s21 =	smax.u32 s8, $0x1;
	s22 =	sadd.s32 $0x3800, s26;
	s23 =	simm.s32 $0x4  }
0x19: {  	s24 =	simm.s32 $0x200;
	s26 =	simm.s32 $0x1900;
	s8 =	simm.s32 $0x0  }
.LBB2_1:
0x1a: {  	s9 =	rddreg [dreg:$0x4]  }
0x1b: {  	[tilespmem:s3], [sflag:$0x4] =	stream.linear.gather [hbm4b:s9+s3], $0x200, $0x38;
	[tilespmem:$0x1D900] =	vst v63  }
0x1c: {  	_ =	swait.ge [sflag:s23], $0x200  }
0x1d: {  	[sflag:s23] =	ssyncset.done $0x0  }
0x1e: {  	s10 =	rddreg [dreg:$0x5];
	[sflag:s23] =	ssyncadd.s32 $0xFFFFFE00  }
0x1f: {  	[tilespmem:s24], [sflag:$0x3] =	stream.linear.gather [hbm4b:s10+s3], $0x1700, $0x38;
	[tilespmem:$0x1D900] =	vst v63  }
0x20: {  	_ = 	snop  }
0x21: {  	[tilespmem:s26], [sflag:$0x1] =	stream.indirect.gather [hbm4b:s2+s25], $0x80, s3, s25, $0xb8;
	[tilespmem:$0x1D900] =	vst v63  }
0x22: {  	_ = 	snop  }
0x23: {  	[tilespmem:s28], [sflag:$0x1] =	stream.indirect.gather [hbm4b:s2+s25], $0x80, s25, s25, $0xb8;
	[tilespmem:$0x1D900] =	vst v63  }
0x24: {  	s11 =	simm.s32 $0x100  }
0x25: {  	[tilespmem:s30], [sflag:$0x1] =	stream.indirect.gather [hbm4b:s2+s25], $0x80, s11, s25, $0xb8;
	[tilespmem:$0x1D900] =	vst v63  }
0x26: {  	s12 =	simm.s32 $0x180  }
0x27: {  	[tilespmem:s0], [sflag:$0x1] =	stream.indirect.gather [hbm4b:s2+s25], $0x80, s12, s25, $0xb8;
	[tilespmem:$0x1D900] =	vst v63  }
0x28: {  	_ =	swait.ge [sflag:s1], $0x1700  }
0x29: {  	[sflag:s1] =	ssyncset.done $0x0  }
0x2a: {  	[sflag:s1] =	ssyncadd.s32 $0xFFFFE900  }
0x2b: {  	_ =	swait.ge [sflag:s29], $0x4000  }
0x2c: {  	[sflag:s29] =	ssyncset.done $0x0  }
0x2d: {  	[sflag:s29] =	ssyncadd.s32 $0xFFFFC000  }
0x2e: {  	[hbm4b:s6+s3] =	stream.linear.scatter [tilespmem:s26], [sflag:$0x2], $0x4000, $0x38;
	[tilespmem:$0x1D900] =	vst v63  }
0x2f: {  	_ = 	snop  }
0x30: {  	[tilespmem:s31], [sflag:$0x1] =	stream.indirect.gather [hbm4b:s2+s25], $0x80, s24, s25, $0xb8;
	[tilespmem:$0x1D900] =	vst v63  }
0x31: {  	_ =	swait.ge [sflag:s29], $0x4000  }
0x32: {  	[sflag:s29] =	ssyncset.done $0x0  }
0x33: {  	s10 =	rddreg [dreg:$0x6];
	[sflag:s29] =	ssyncadd.s32 $0xFFFFC000  }
0x34: {  	[hbm4b:s10+s3] =	stream.linear.scatter [tilespmem:s28], [sflag:$0x2], $0x4000, $0x38;
	[tilespmem:$0x1D900] =	vst v63  }
0x35: {  	s11 =	simm.s32 $0x280  }
0x36: {  	[tilespmem:s4], [sflag:$0x1] =	stream.indirect.gather [hbm4b:s2+s25], $0x80, s11, s25, $0xb8;
	[tilespmem:$0x1D900] =	vst v63  }
0x37: {  	_ =	swait.ge [sflag:s29], $0x4000  }
0x38: {  	[sflag:s29] =	ssyncset.done $0x0  }
0x39: {  	s12 =	rddreg [dreg:$0x7];
	[sflag:s29] =	ssyncadd.s32 $0xFFFFC000  }
0x3a: {  	[hbm4b:s12+s3] =	stream.linear.scatter [tilespmem:s30], [sflag:$0x2], $0x4000, $0x38;
	[tilespmem:$0x1D900] =	vst v63  }
0x3b: {  	s10 =	simm.s32 $0x300  }
0x3c: {  	[tilespmem:s5], [sflag:$0x1] =	stream.indirect.gather [hbm4b:s2+s25], $0x80, s10, s25, $0xb8;
	[tilespmem:$0x1D900] =	vst v63  }
0x3d: {  	_ =	swait.ge [sflag:s29], $0x4000  }
0x3e: {  	[sflag:s29] =	ssyncset.done $0x0  }
0x3f: {  	s11 =	rddreg [dreg:$0x8];
	[sflag:s29] =	ssyncadd.s32 $0xFFFFC000  }
0x40: {  	[hbm4b:s11+s3] =	stream.linear.scatter [tilespmem:s0], [sflag:$0x2], $0x4000, $0x38;
	[tilespmem:$0x1D900] =	vst v63  }
0x41: {  	_ =	swait.ge [sflag:s7], $0x4000  }
0x42: {  	[sflag:s7] =	ssyncset.done $0x0  }
0x43: {  	s12 =	simm.s32 $0x380;
	[sflag:s7] =	ssyncadd.s32 $0xFFFFC000  }
0x44: {  	[tilespmem:s26], [sflag:$0x1] =	stream.indirect.gather [hbm4b:s2+s25], $0x80, s12, s25, $0xb8;
	[tilespmem:$0x1D900] =	vst v63  }
0x45: {  	_ =	swait.ge [sflag:s29], $0x4000  }
0x46: {  	[sflag:s29] =	ssyncset.done $0x0  }
0x47: {  	s10 =	rddreg [dreg:$0x9];
	[sflag:s29] =	ssyncadd.s32 $0xFFFFC000  }
0x48: {  	[hbm4b:s10+s3] =	stream.linear.scatter [tilespmem:s31], [sflag:$0x2], $0x4000, $0x38;
	[tilespmem:$0x1D900] =	vst v63  }
0x49: {  	_ =	swait.ge [sflag:s7], $0x4000  }
0x4a: {  	[sflag:s7] =	ssyncset.done $0x0  }
0x4b: {  	s11 =	simm.s32 $0x400;
	[sflag:s7] =	ssyncadd.s32 $0xFFFFC000  }
0x4c: {  	[tilespmem:s28], [sflag:$0x1] =	stream.indirect.gather [hbm4b:s2+s25], $0x80, s11, s25, $0xb8;
	[tilespmem:$0x1D900] =	vst v63  }
0x4d: {  	_ =	swait.ge [sflag:s29], $0x4000  }
0x4e: {  	[sflag:s29] =	ssyncset.done $0x0  }
0x4f: {  	s12 =	rddreg [dreg:$0xa];
	[sflag:s29] =	ssyncadd.s32 $0xFFFFC000  }
0x50: {  	[hbm4b:s12+s3] =	stream.linear.scatter [tilespmem:s4], [sflag:$0x2], $0x4000, $0x38;
	[tilespmem:$0x1D900] =	vst v63  }
0x51: {  	_ =	swait.ge [sflag:s7], $0x4000  }
0x52: {  	[sflag:s7] =	ssyncset.done $0x0  }
0x53: {  	s10 =	simm.s32 $0x480;
	[sflag:s7] =	ssyncadd.s32 $0xFFFFC000  }
0x54: {  	[tilespmem:s30], [sflag:$0x1] =	stream.indirect.gather [hbm4b:s2+s25], $0x80, s10, s25, $0xb8;
	[tilespmem:$0x1D900] =	vst v63  }
0x55: {  	_ =	swait.ge [sflag:s29], $0x4000  }
0x56: {  	[sflag:s29] =	ssyncset.done $0x0  }
0x57: {  	s11 =	rddreg [dreg:$0xb];
	[sflag:s29] =	ssyncadd.s32 $0xFFFFC000  }
0x58: {  	[hbm4b:s11+s3] =	stream.linear.scatter [tilespmem:s5], [sflag:$0x2], $0x4000, $0x38;
	[tilespmem:$0x1D900] =	vst v63  }
0x59: {  	_ =	swait.ge [sflag:s7], $0x4000  }
0x5a: {  	[sflag:s7] =	ssyncset.done $0x0  }
0x5b: {  	s12 =	simm.s32 $0x500;
	[sflag:s7] =	ssyncadd.s32 $0xFFFFC000  }
0x5c: {  	[tilespmem:s0], [sflag:$0x1] =	stream.indirect.gather [hbm4b:s2+s25], $0x80, s12, s25, $0xb8;
	[tilespmem:$0x1D900] =	vst v63  }
0x5d: {  	_ =	swait.ge [sflag:s29], $0x4000  }
0x5e: {  	[sflag:s29] =	ssyncset.done $0x0  }
0x5f: {  	[sflag:s29] =	ssyncadd.s32 $0xFFFFC000  }
0x60: {  	[hbm4b:s22+s3] =	stream.linear.scatter [tilespmem:s26], [sflag:$0x2], $0x4000, $0x38;
	[tilespmem:$0x1D900] =	vst v63  }
0x61: {  	_ =	swait.ge [sflag:s7], $0x4000  }
0x62: {  	[sflag:s7] =	ssyncset.done $0x0  }
0x63: {  	s10 =	simm.s32 $0x580;
	[sflag:s7] =	ssyncadd.s32 $0xFFFFC000  }
0x64: {  	[tilespmem:s31], [sflag:$0x1] =	stream.indirect.gather [hbm4b:s2+s25], $0x80, s10, s25, $0xb8;
	[tilespmem:$0x1D900] =	vst v63  }
0x65: {  	_ =	swait.ge [sflag:s29], $0x4000  }
0x66: {  	[sflag:s29] =	ssyncset.done $0x0  }
0x67: {  	s11 =	sadd.s32 $0x800, s22;
	[sflag:s29] =	ssyncadd.s32 $0xFFFFC000  }
0x68: {  	[hbm4b:s11+s3] =	stream.linear.scatter [tilespmem:s28], [sflag:$0x2], $0x4000, $0x38;
	[tilespmem:$0x1D900] =	vst v63  }
0x69: {  	_ =	swait.ge [sflag:s7], $0x4000  }
0x6a: {  	[sflag:s7] =	ssyncset.done $0x0  }
0x6b: {  	s12 =	simm.s32 $0x600;
	[sflag:s7] =	ssyncadd.s32 $0xFFFFC000  }
0x6c: {  	[tilespmem:s4], [sflag:$0x1] =	stream.indirect.gather [hbm4b:s2+s25], $0x80, s12, s25, $0xb8;
	[tilespmem:$0x1D900] =	vst v63  }
0x6d: {  	_ =	swait.ge [sflag:s29], $0x4000  }
0x6e: {  	[sflag:s29] =	ssyncset.done $0x0  }
0x6f: {  	s10 =	sadd.s32 $0x1000, s22;
	[sflag:s29] =	ssyncadd.s32 $0xFFFFC000  }
0x70: {  	[hbm4b:s10+s3] =	stream.linear.scatter [tilespmem:s30], [sflag:$0x2], $0x4000, $0x38;
	[tilespmem:$0x1D900] =	vst v63  }
0x71: {  	_ =	swait.ge [sflag:s7], $0x4000  }
0x72: {  	[sflag:s7] =	ssyncset.done $0x0  }
0x73: {  	s11 =	simm.s32 $0x680;
	[sflag:s7] =	ssyncadd.s32 $0xFFFFC000  }
0x74: {  	[tilespmem:s5], [sflag:$0x1] =	stream.indirect.gather [hbm4b:s2+s25], $0x80, s11, s25, $0xb8;
	[tilespmem:$0x1D900] =	vst v63  }
0x75: {  	_ =	swait.ge [sflag:s29], $0x4000  }
0x76: {  	[sflag:s29] =	ssyncset.done $0x0  }
0x77: {  	s12 =	sadd.s32 $0x1800, s22;
	[sflag:s29] =	ssyncadd.s32 $0xFFFFC000  }
0x78: {  	[hbm4b:s12+s3] =	stream.linear.scatter [tilespmem:s0], [sflag:$0x2], $0x4000, $0x38;
	[tilespmem:$0x1D900] =	vst v63  }
0x79: {  	_ =	swait.ge [sflag:s7], $0x4000  }
0x7a: {  	[sflag:s7] =	ssyncset.done $0x0  }
0x7b: {  	s10 =	simm.s32 $0x700;
	[sflag:s7] =	ssyncadd.s32 $0xFFFFC000  }
0x7c: {  	[tilespmem:s26], [sflag:$0x1] =	stream.indirect.gather [hbm4b:s2+s25], $0x80, s10, s25, $0xb8;
	[tilespmem:$0x1D900] =	vst v63  }
0x7d: {  	_ =	swait.ge [sflag:s29], $0x4000  }
0x7e: {  	[sflag:s29] =	ssyncset.done $0x0  }
0x7f: {  	s11 =	sadd.s32 $0x2000, s22;
	[sflag:s29] =	ssyncadd.s32 $0xFFFFC000  }
0x80: {  	[hbm4b:s11+s3] =	stream.linear.scatter [tilespmem:s31], [sflag:$0x2], $0x4000, $0x38;
	[tilespmem:$0x1D900] =	vst v63  }
0x81: {  	_ =	swait.ge [sflag:s7], $0x4000  }
0x82: {  	[sflag:s7] =	ssyncset.done $0x0  }
0x83: {  	s12 =	simm.s32 $0x780;
	[sflag:s7] =	ssyncadd.s32 $0xFFFFC000  }
0x84: {  	[tilespmem:s28], [sflag:$0x1] =	stream.indirect.gather [hbm4b:s2+s25], $0x80, s12, s25, $0xb8;
	[tilespmem:$0x1D900] =	vst v63  }
0x85: {  	_ =	swait.ge [sflag:s29], $0x4000  }
0x86: {  	[sflag:s29] =	ssyncset.done $0x0  }
0x87: {  	s10 =	sadd.s32 $0x2800, s22;
	[sflag:s29] =	ssyncadd.s32 $0xFFFFC000  }
0x88: {  	[hbm4b:s10+s3] =	stream.linear.scatter [tilespmem:s4], [sflag:$0x2], $0x4000, $0x38;
	[tilespmem:$0x1D900] =	vst v63  }
0x89: {  	_ =	swait.ge [sflag:s7], $0x4000  }
0x8a: {  	[sflag:s7] =	ssyncset.done $0x0  }
0x8b: {  	s11 =	simm.s32 $0x800;
	[sflag:s7] =	ssyncadd.s32 $0xFFFFC000  }
0x8c: {  	[tilespmem:s30], [sflag:$0x1] =	stream.indirect.gather [hbm4b:s2+s25], $0x80, s11, s25, $0xb8;
	[tilespmem:$0x1D900] =	vst v63  }
0x8d: {  	_ =	swait.ge [sflag:s29], $0x4000  }
0x8e: {  	[sflag:s29] =	ssyncset.done $0x0  }
0x8f: {  	s12 =	sadd.s32 $0x3000, s22;
	[sflag:s29] =	ssyncadd.s32 $0xFFFFC000  }
0x90: {  	[hbm4b:s12+s3] =	stream.linear.scatter [tilespmem:s5], [sflag:$0x2], $0x4000, $0x38;
	[tilespmem:$0x1D900] =	vst v63  }
0x91: {  	_ =	swait.ge [sflag:s7], $0x4000  }
0x92: {  	s9 =	simm.s32 $0xE00;
	[sflag:s7] =	ssyncset.done $0x0  }
0x93: {  	s10 =	sadd.s32 $0x3800, s22;
	s11 =	simm.s32 $0x880;
	[sflag:s7] =	ssyncadd.s32 $0xFFFFC000  }
.LBB2_2:
0x94: {  	[tilespmem:s0], [sflag:$0x1] =	stream.indirect.gather [hbm4b:s2+s25], $0x80, s11, s25, $0xb8;
	[tilespmem:$0x1D900] =	vst v63  }
0x95: {  	s11 =	smov.u32 s9  }
0x96: {  	p0 =	sne.s32 s9, $0x3800;
	s9 =	sadd.s32 $0xE00, s9;
	_ =	swait.ge [sflag:s29], $0x4000  }
0x97: {  	[sflag:s29] =	ssyncset.done $0x0  }
0x98: {  	[sflag:s29] =	ssyncadd.s32 $0xFFFFC000  }
0x99: {  	[hbm4b:s10+s3] =	stream.linear.scatter [tilespmem:s26], [sflag:$0x2], $0x4000, $0x38;
	[tilespmem:$0x1D900] =	vst v63  }
0x9a: {  	_ =	swait.ge [sflag:s7], $0x4000  }
0x9b: {  	s11 =	sshra.s32 s11, $0x2;
	[sflag:s7] =	ssyncset.done $0x0  }
0x9c: {  	s12 =	sadd.s32 $0x580, s11;
	[sflag:s7] =	ssyncadd.s32 $0xFFFFC000  }
0x9d: {  	[tilespmem:s31], [sflag:$0x1] =	stream.indirect.gather [hbm4b:s2+s25], $0x80, s12, s25, $0xb8;
	[tilespmem:$0x1D900] =	vst v63  }
0x9e: {  	_ =	swait.ge [sflag:s29], $0x4000  }
0x9f: {  	[sflag:s29] =	ssyncset.done $0x0  }
0xa0: {  	s12 =	sadd.s32 $0x800, s10;
	[sflag:s29] =	ssyncadd.s32 $0xFFFFC000  }
0xa1: {  	[hbm4b:s12+s3] =	stream.linear.scatter [tilespmem:s28], [sflag:$0x2], $0x4000, $0x38;
	[tilespmem:$0x1D900] =	vst v63  }
0xa2: {  	_ =	swait.ge [sflag:s7], $0x4000  }
0xa3: {  	[sflag:s7] =	ssyncset.done $0x0  }
0xa4: {  	s12 =	sadd.s32 $0x600, s11;
	[sflag:s7] =	ssyncadd.s32 $0xFFFFC000  }
0xa5: {  	[tilespmem:s4], [sflag:$0x1] =	stream.indirect.gather [hbm4b:s2+s25], $0x80, s12, s25, $0xb8;
	[tilespmem:$0x1D900] =	vst v63  }
0xa6: {  	_ =	swait.ge [sflag:s29], $0x4000  }
0xa7: {  	[sflag:s29] =	ssyncset.done $0x0  }
0xa8: {  	s12 =	sadd.s32 $0x1000, s10;
	[sflag:s29] =	ssyncadd.s32 $0xFFFFC000  }
0xa9: {  	[hbm4b:s12+s3] =	stream.linear.scatter [tilespmem:s30], [sflag:$0x2], $0x4000, $0x38;
	[tilespmem:$0x1D900] =	vst v63  }
0xaa: {  	_ =	swait.ge [sflag:s7], $0x4000  }
0xab: {  	[sflag:s7] =	ssyncset.done $0x0  }
0xac: {  	s12 =	sadd.s32 $0x680, s11;
	[sflag:s7] =	ssyncadd.s32 $0xFFFFC000  }
0xad: {  	[tilespmem:s5], [sflag:$0x1] =	stream.indirect.gather [hbm4b:s2+s25], $0x80, s12, s25, $0xb8;
	[tilespmem:$0x1D900] =	vst v63  }
0xae: {  	_ =	swait.ge [sflag:s29], $0x4000  }
0xaf: {  	[sflag:s29] =	ssyncset.done $0x0  }
0xb0: {  	s12 =	sadd.s32 $0x1800, s10;
	[sflag:s29] =	ssyncadd.s32 $0xFFFFC000  }
0xb1: {  	[hbm4b:s12+s3] =	stream.linear.scatter [tilespmem:s0], [sflag:$0x2], $0x4000, $0x38;
	[tilespmem:$0x1D900] =	vst v63  }
0xb2: {  	_ =	swait.ge [sflag:s7], $0x4000  }
0xb3: {  	[sflag:s7] =	ssyncset.done $0x0  }
0xb4: {  	s12 =	sadd.s32 $0x700, s11;
	[sflag:s7] =	ssyncadd.s32 $0xFFFFC000  }
0xb5: {  	[tilespmem:s26], [sflag:$0x1] =	stream.indirect.gather [hbm4b:s2+s25], $0x80, s12, s25, $0xb8;
	[tilespmem:$0x1D900] =	vst v63  }
0xb6: {  	_ =	swait.ge [sflag:s29], $0x4000  }
0xb7: {  	[sflag:s29] =	ssyncset.done $0x0  }
0xb8: {  	s12 =	sadd.s32 $0x2000, s10;
	[sflag:s29] =	ssyncadd.s32 $0xFFFFC000  }
0xb9: {  	[hbm4b:s12+s3] =	stream.linear.scatter [tilespmem:s31], [sflag:$0x2], $0x4000, $0x38;
	[tilespmem:$0x1D900] =	vst v63  }
0xba: {  	_ =	swait.ge [sflag:s7], $0x4000  }
0xbb: {  	[sflag:s7] =	ssyncset.done $0x0  }
0xbc: {  	s12 =	sadd.s32 $0x780, s11;
	[sflag:s7] =	ssyncadd.s32 $0xFFFFC000  }
0xbd: {  	[tilespmem:s28], [sflag:$0x1] =	stream.indirect.gather [hbm4b:s2+s25], $0x80, s12, s25, $0xb8;
	[tilespmem:$0x1D900] =	vst v63  }
0xbe: {  	_ =	swait.ge [sflag:s29], $0x4000  }
0xbf: {  	[sflag:s29] =	ssyncset.done $0x0  }
0xc0: {  	s12 =	sadd.s32 $0x2800, s10;
	[sflag:s29] =	ssyncadd.s32 $0xFFFFC000  }
0xc1: {  	[hbm4b:s12+s3] =	stream.linear.scatter [tilespmem:s4], [sflag:$0x2], $0x4000, $0x38;
	[tilespmem:$0x1D900] =	vst v63  }
0xc2: {  	_ =	swait.ge [sflag:s7], $0x4000  }
0xc3: {  	[sflag:s7] =	ssyncset.done $0x0  }
0xc4: {  	s12 =	sadd.s32 $0x800, s11;
	[sflag:s7] =	ssyncadd.s32 $0xFFFFC000  }
0xc5: {  	[tilespmem:s30], [sflag:$0x1] =	stream.indirect.gather [hbm4b:s2+s25], $0x80, s12, s25, $0xb8;
	[tilespmem:$0x1D900] =	vst v63  }
0xc6: {  	_ =	swait.ge [sflag:s29], $0x4000  }
0xc7: {  	[sflag:s29] =	ssyncset.done $0x0  }
.Ltmp0:
0xc8: {  	s12 =	sadd.s32 $0x3000, s10;
	[sflag:s29] =	ssyncadd.s32 $0xFFFFC000;
	(pc) =	sbr.rel @p0 .LBB2_2-.Ltmp0, $4  }
0xc9: {  	[hbm4b:s12+s3] =	stream.linear.scatter [tilespmem:s5], [sflag:$0x2], $0x4000, $0x38;
	[tilespmem:$0x1D900] =	vst v63  }
0xca: {  	_ =	swait.ge [sflag:s7], $0x4000  }
0xcb: {  	[sflag:s7] =	ssyncset.done $0x0  }
0xcc: {  	s11 =	sadd.s32 $0x880, s11;
	s10 =	sadd.s32 $0x3800, s10;
	[sflag:s7] =	ssyncadd.s32 $0xFFFFC000  }
0xcd: {  	[tilespmem:s0], [sflag:$0x1] =	stream.indirect.gather [hbm4b:s2+s25], $0x80, s11, s25, $0xb8;
	[tilespmem:$0x1D900] =	vst v63  }
0xce: {  	_ =	swait.ge [sflag:s29], $0x4000  }
0xcf: {  	[sflag:s29] =	ssyncset.done $0x0  }
0xd0: {  	[sflag:s29] =	ssyncadd.s32 $0xFFFFC000  }
0xd1: {  	[hbm4b:s13+s3] =	stream.linear.scatter [tilespmem:s26], [sflag:$0x2], $0x4000, $0x38;
	[tilespmem:$0x1D900] =	vst v63  }
0xd2: {  	_ =	swait.ge [sflag:s7], $0x4000  }
0xd3: {  	[sflag:s7] =	ssyncset.done $0x0  }
0xd4: {  	s9 =	simm.s32 $0x1700;
	[sflag:s7] =	ssyncadd.s32 $0xFFFFC000  }
0xd5: {  	[tilespmem:s31], [sflag:$0x1] =	stream.indirect.gather [hbm4b:s2+s25], $0x80, s9, s25, $0xb8;
	[tilespmem:$0x1D900] =	vst v63  }
0xd6: {  	_ =	swait.ge [sflag:s29], $0x4000  }
0xd7: {  	[sflag:s29] =	ssyncset.done $0x0  }
0xd8: {  	[sflag:s29] =	ssyncadd.s32 $0xFFFFC000  }
0xd9: {  	[hbm4b:s14+s3] =	stream.linear.scatter [tilespmem:s28], [sflag:$0x2], $0x4000, $0x38;
	[tilespmem:$0x1D900] =	vst v63  }
0xda: {  	_ =	swait.ge [sflag:s7], $0x4000  }
0xdb: {  	[sflag:s7] =	ssyncset.done $0x0  }
0xdc: {  	s10 =	simm.s32 $0x1780;
	[sflag:s7] =	ssyncadd.s32 $0xFFFFC000  }
0xdd: {  	[tilespmem:s4], [sflag:$0x1] =	stream.indirect.gather [hbm4b:s2+s25], $0x80, s10, s25, $0xb8;
	[tilespmem:$0x1D900] =	vst v63  }
0xde: {  	_ =	swait.ge [sflag:s29], $0x4000  }
0xdf: {  	[sflag:s29] =	ssyncset.done $0x0  }
0xe0: {  	[sflag:s29] =	ssyncadd.s32 $0xFFFFC000  }
0xe1: {  	[hbm4b:s15+s3] =	stream.linear.scatter [tilespmem:s30], [sflag:$0x2], $0x4000, $0x38;
	[tilespmem:$0x1D900] =	vst v63  }
0xe2: {  	_ =	swait.ge [sflag:s7], $0x4000  }
0xe3: {  	[sflag:s7] =	ssyncset.done $0x0  }
0xe4: {  	s11 =	simm.s32 $0x1800;
	[sflag:s7] =	ssyncadd.s32 $0xFFFFC000  }
0xe5: {  	[tilespmem:s5], [sflag:$0x1] =	stream.indirect.gather [hbm4b:s2+s25], $0x80, s11, s25, $0xb8;
	[tilespmem:$0x1D900] =	vst v63  }
0xe6: {  	_ =	swait.ge [sflag:s29], $0x4000  }
0xe7: {  	[sflag:s29] =	ssyncset.done $0x0  }
0xe8: {  	[sflag:s29] =	ssyncadd.s32 $0xFFFFC000  }
0xe9: {  	[hbm4b:s16+s3] =	stream.linear.scatter [tilespmem:s0], [sflag:$0x2], $0x4000, $0x38;
	[tilespmem:$0x1D900] =	vst v63  }
0xea: {  	_ =	swait.ge [sflag:s7], $0x4000  }
0xeb: {  	[sflag:s7] =	ssyncset.done $0x0  }
0xec: {  	s12 =	simm.s32 $0x1880;
	[sflag:s7] =	ssyncadd.s32 $0xFFFFC000  }
0xed: {  	[tilespmem:s26], [sflag:$0x1] =	stream.indirect.gather [hbm4b:s2+s25], $0x80, s12, s25, $0xb8;
	[tilespmem:$0x1D900] =	vst v63  }
0xee: {  	_ =	swait.ge [sflag:s29], $0x4000  }
0xef: {  	[sflag:s29] =	ssyncset.done $0x0  }
0xf0: {  	[sflag:s29] =	ssyncadd.s32 $0xFFFFC000  }
0xf1: {  	[hbm4b:s17+s3] =	stream.linear.scatter [tilespmem:s31], [sflag:$0x2], $0x4000, $0x38;
	[tilespmem:$0x1D900] =	vst v63  }
0xf2: {  	_ =	swait.ge [sflag:s29], $0x4000  }
0xf3: {  	[sflag:s29] =	ssyncset.done $0x0  }
0xf4: {  	[sflag:s29] =	ssyncadd.s32 $0xFFFFC000  }
0xf5: {  	[hbm4b:s18+s3] =	stream.linear.scatter [tilespmem:s4], [sflag:$0x2], $0x4000, $0x38;
	[tilespmem:$0x1D900] =	vst v63  }
0xf6: {  	_ =	swait.ge [sflag:s29], $0x4000  }
0xf7: {  	[sflag:s29] =	ssyncset.done $0x0  }
0xf8: {  	[sflag:s29] =	ssyncadd.s32 $0xFFFFC000  }
0xf9: {  	[hbm4b:s19+s3] =	stream.linear.scatter [tilespmem:s5], [sflag:$0x2], $0x4000, $0x38;
	[tilespmem:$0x1D900] =	vst v63  }
0xfa: {  	_ =	swait.ge [sflag:s29], $0x4000  }
0xfb: {  	[sflag:s29] =	ssyncset.done $0x0  }
0xfc: {  	[sflag:s29] =	ssyncadd.s32 $0xFFFFC000  }
0xfd: {  	[hbm4b:s20+s3] =	stream.linear.scatter [tilespmem:s26], [sflag:$0x2], $0x4000, $0x38;
	[tilespmem:$0x1D900] =	vst v63  }
0xfe: {  	_ =	swait.ge [sflag:s7], $0x4000  }
0xff: {  	[sflag:s7] =	ssyncset.done $0x0  }
0x100: {  	[sflag:s7] =	ssyncadd.s32 $0xFFFFC000  }
0x101: {  	_ =	swait.ge [sflag:s7], $0x4000  }
0x102: {  	[sflag:s7] =	ssyncset.done $0x0  }
0x103: {  	[sflag:s7] =	ssyncadd.s32 $0xFFFFC000  }
0x104: {  	_ =	swait.ge [sflag:s7], $0x4000  }
0x105: {  	[sflag:s7] =	ssyncset.done $0x0  }
0x106: {  	[sflag:s7] =	ssyncadd.s32 $0xFFFFC000  }
0x107: {  	_ =	swait.ge [sflag:s7], $0x4000  }
0x108: {  	[sflag:s7] =	ssyncset.done $0x0  }
0x109: {  	[sflag:s7] =	ssyncadd.s32 $0xFFFFC000  }
0x10a: {  	_ =	swait.ge [sflag:s7], $0x4000  }
0x10b: {  	[sflag:s7] =	ssyncset.done $0x0  }
0x10c: {  	s8 =	sadd.s32 $0x1, s8;
	[sflag:s7] =	ssyncadd.s32 $0xFFFFC000  }
0x10d: {  	p0 =	sne.s32 s8, s21;
	_ =	swait.ge [sflag:s7], $0x4000  }
.Ltmp1:
0x10e: {  	[sflag:s7] =	ssyncset.done $0x0;
	(pc) =	sbr.rel @p0 .LBB2_1-.Ltmp1, $4  }
0x10f: {  	[sflag:s7] =	ssyncadd.s32 $0xFFFFC000  }
0x110: {  	_ =	swait.ge [sflag:s7], $0x4000  }
0x111: {  	[sflag:s7] =	ssyncset.done $0x0  }
0x112: {  	[sflag:s7] =	ssyncadd.s32 $0xFFFFC000  }
0x113: {  	_ =	sfence.sel $0x180000  }
0x114: {  	[bflag:$0x0] =	sbarrier.arrive $0xFFFF  }
0x115: {  	_ =	strace $0x90000047  }
0x116: {  	s0 =	stileid.u32;
	[bflag:$0x2] =	sbarrier.arrive $0xFFFF  }
0x117: {  	p0 =	sne.s32 s0, $0x0;
	s0 =	rddreg [dreg:$0x3]  }
0x118: {  	s0 =	sadd.s32 @!p0 $0x100000, s0  }
0x119: {  	[sflag:s0] =	ssyncadd.tile.s32 @!p0 $0x1;
	_ =	shalt  }
.Lfunc_end2:
_tile_overlayer_lowered:
.L_overlay_start_2:
0x11a: {  	(tag) =	ssettag $0x2  }
0x11b: {  	s0 =	rddreg [dreg:$0x0];
	s2 =	stileid.u32  }
0x11c: {  	s1 =	rddreg [dreg:$0x1];
	p0 =	sne.s32 s2, $0x0  }
0x11d: {  	s3 =	rddreg [dreg:$0x2];
	[bflag:$0x3] =	sbarrier.arrive $0xFFFF;
	s2 =	simm.s32 @!p0 $0x1C04  }
0x11e: {  	[timem:s3], [sflag:s2] =	dma.local @!p0 [hbm:s0], s1  }
0x11f: {  	s0 =	simm.s32 @!p0 $0x4  }
0x120: {  	_ =	swait.ge @!p0 [sflag:s0], s1  }
0x121: {  	s1 =	ssub.s32 @!p0 $0x0, s1;
	[sflag:s0] =	ssyncset.done @!p0 $0x0  }
0x122: {  	[sflag:s0] =	ssyncadd.s32 @!p0 s1  }
0x123: {  	[bflag:$0x3] =	sbarrier.arrive $0xFFFF  }
0x124: {  	_ =	shalt  }

</sc_bundles>
